<compile_context>
chip_gen: v7x
topology: tpu7x:2x2x1
jax: 0.10.2.dev20260603
libtpu: 0.0.44.dev20260713+nightly
codegen_flags: <defaults>
</compile_context>

<pallas_src>
import functools

import jax
import jax.numpy as jnp
from jax import lax
from jax.experimental import pallas as pl
from jax.experimental.pallas import tpu as pltpu
from jax.experimental.pallas import tpu_sc as plsc

B = 1024
K = 20
H = 64
EW = 2 * H

RD = K * B
RS = (K + 1) * B
RSP = (K + 2) * B

NW = 32
J1, C1 = 5, 128
J2, C2 = 6, 112
ROWS1 = J1 * C1
ROWS2 = J2 * C2


def _sc_gather_diff(user_emb, item_emb, idx_ud, idx_id):
    mesh = plsc.VectorSubcoreMesh(core_axis_name="c", subcore_axis_name="s")

    @functools.partial(
        pl.kernel,
        mesh=mesh,
        compiler_params=pltpu.CompilerParams(use_tc_tiling_on_sc=False),
        out_type=(
            jax.ShapeDtypeStruct((RD, EW), jnp.float32),
            jax.ShapeDtypeStruct((RD, EW), jnp.float32),
        ),
        scratch_types=[
            pltpu.VMEM((J1, C1), jnp.int32),
            pltpu.VMEM((J1, C1), jnp.int32),
            pltpu.VMEM((2 * ROWS1, H), jnp.float32),
            pltpu.SemaphoreType.DMA,
        ],
    )
    def k(uemb, iemb, i_ud, i_id, e_du, e_di, vu, vi, buf, sem_g):
        wid = lax.axis_index("s") * 2 + lax.axis_index("c")
        pltpu.sync_copy(i_ud.at[wid], vu)
        pltpu.sync_copy(i_id.at[wid], vi)
        handles = []
        for j in range(J1):
            handles.append(pltpu.async_copy(
                iemb.at[vu.at[j]], buf.at[pl.ds(j * C1, C1)], sem_g))
        for j in range(J1):
            handles.append(pltpu.async_copy(
                uemb.at[vi.at[j]], buf.at[pl.ds(ROWS1 + j * C1, C1)], sem_g))
        for h in handles:
            h.wait()
        pltpu.sync_copy(
            buf.at[pl.ds(0, ROWS1)],
            e_du.at[pl.ds(wid * ROWS1, ROWS1), pl.ds(0, H)])
        pltpu.sync_copy(
            buf.at[pl.ds(ROWS1, ROWS1)],
            e_di.at[pl.ds(wid * ROWS1, ROWS1), pl.ds(0, H)])

    return k(user_emb, item_emb, idx_ud, idx_id)


def _sc_gather_same(user_emb, item_emb, idx_us, idx_is):
    mesh = plsc.VectorSubcoreMesh(core_axis_name="c", subcore_axis_name="s")

    @functools.partial(
        pl.kernel,
        mesh=mesh,
        compiler_params=pltpu.CompilerParams(use_tc_tiling_on_sc=False),
        out_type=(
            jax.ShapeDtypeStruct((RSP, EW), jnp.float32),
            jax.ShapeDtypeStruct((RSP, EW), jnp.float32),
        ),
        scratch_types=[
            pltpu.VMEM((J2, C2), jnp.int32),
            pltpu.VMEM((J2, C2), jnp.int32),
            pltpu.VMEM((2 * ROWS2, H), jnp.float32),
            pltpu.SemaphoreType.DMA,
        ],
    )
    def k(uemb, iemb, i_us, i_is, e_su, e_si, vu, vi, buf, sem_g):
        wid = lax.axis_index("s") * 2 + lax.axis_index("c")
        pltpu.sync_copy(i_us.at[wid], vu)
        pltpu.sync_copy(i_is.at[wid], vi)
        handles = []
        for j in range(J2):
            handles.append(pltpu.async_copy(
                uemb.at[vu.at[j]], buf.at[pl.ds(j * C2, C2)], sem_g))
        for j in range(J2):
            handles.append(pltpu.async_copy(
                iemb.at[vi.at[j]], buf.at[pl.ds(ROWS2 + j * C2, C2)], sem_g))
        for h in handles:
            h.wait()
        pltpu.sync_copy(
            buf.at[pl.ds(0, ROWS2)],
            e_su.at[pl.ds(wid * ROWS2, ROWS2), pl.ds(0, H)])
        pltpu.sync_copy(
            buf.at[pl.ds(ROWS2, ROWS2)],
            e_si.at[pl.ds(wid * ROWS2, ROWS2), pl.ds(0, H)])

    return k(user_emb, item_emb, idx_us, idx_is)


def _mlp_maker(w1_ref, b1_ref, w2_ref, b2_ref):
    f32 = jnp.float32
    dn_x = (((1,), (0,)), ((), ()))
    dn_e = (((1,), (1,)), ((), ()))
    dn_g = (((0,), (0,)), ((), ()))
    w1t = w1_ref[:, 0:H]
    w1b = w1_ref[:, H:2 * H]
    b1 = b1_ref[...]
    w2 = w2_ref[...]
    b2 = b2_ref[...]

    def mlp(x, e):
        g = jnp.maximum(
            lax.dot_general(w1t, x, dn_x, preferred_element_type=f32)
            + lax.dot_general(w1b, e, dn_e, preferred_element_type=f32)
            + b1, 0.0)
        return jnp.maximum(
            lax.dot_general(w2, g, dn_g, preferred_element_type=f32) + b2,
            0.0)

    return mlp, dn_x, dn_g


def _tc_diff_body(xu_ref, xi_ref, eu_ref, ei_ref, w1_ref, b1_ref, w2_ref,
                  b2_ref, accu_ref, acci_ref, acc_u, acc_i):
    t = pl.program_id(0)
    mlp, _, _ = _mlp_maker(w1_ref, b1_ref, w2_ref, b2_ref)
    h_u = mlp(xu_ref[0], eu_ref[0:B, 0:H]) + mlp(xu_ref[1], eu_ref[B:2 * B, 0:H])
    h_i = mlp(xi_ref[0], ei_ref[0:B, 0:H]) + mlp(xi_ref[1], ei_ref[B:2 * B, 0:H])

    @pl.when(t == 0)
    def _():
        acc_u[...] = jnp.zeros_like(acc_u)
        acc_i[...] = jnp.zeros_like(acc_i)

    acc_u[...] += h_u
    acc_i[...] += h_i

    @pl.when(t == K // 2 - 1)
    def _():
        accu_ref[...] = acc_u[...]
        acci_ref[...] = acc_i[...]


def _tc_final_body(xu_ref, xi_ref, eu_ref, ei_ref, pu_ref, pi_ref, w1_ref,
                   b1_ref, w2_ref, b2_ref, gw1_ref, gb1_ref, gw2_ref, gb2_ref,
                   out_ref, acc_u, acc_i):
    t = pl.program_id(0)
    f32 = jnp.float32
    mlp, dn_x, dn_g = _mlp_maker(w1_ref, b1_ref, w2_ref, b2_ref)
    h_u = mlp(xu_ref[0], eu_ref[0:B, 0:H])
    h_i = mlp(xi_ref[0], ei_ref[0:B, 0:H])
    h_u2 = mlp(xu_ref[1], eu_ref[B:2 * B, 0:H])
    h_i2 = mlp(xi_ref[1], ei_ref[B:2 * B, 0:H])

    @pl.when(t == 0)
    def _():
        acc_u[...] = pu_ref[...]
        acc_i[...] = pi_ref[...]

    @pl.when(t < K // 2)
    def _():
        acc_u[...] += h_u + h_u2
        acc_i[...] += h_i + h_i2

    @pl.when(t == K // 2)
    def _():
        gw1t = gw1_ref[:, 0:H]
        gw1b = gw1_ref[:, H:2 * H]
        gb1 = gb1_ref[...]
        gw2 = gw2_ref[...]
        gb2 = gb2_ref[...]

        def trans(this, pref):
            g = jnp.maximum(
                lax.dot_general(gw1t, this, dn_x, preferred_element_type=f32)
                + lax.dot_general(gw1b, pref, dn_x,
                                  preferred_element_type=f32)
                + gb1, 0.0)
            return jnp.maximum(
                lax.dot_general(gw2, g, dn_g, preferred_element_type=f32)
                + gb2, 0.0)

        tu = trans(h_u, acc_u[...])
        ti = trans(h_i, acc_i[...])
        out_ref[...] = jnp.sum(tu * ti, axis=0)


def _small(shape):
    return pl.BlockSpec(shape, lambda t: (0,) * len(shape))


def _tc_diff(e_du, e_di, xt_u, xt_i, w1T, b1, w2, b2, interpret=False):
    return pl.pallas_call(
        _tc_diff_body,
        grid=(K // 2,),
        in_specs=[
            pl.BlockSpec((2, H, B), lambda t: (t, 0, 0)),
            pl.BlockSpec((2, H, B), lambda t: (t, 0, 0)),
            pl.BlockSpec((2 * B, EW), lambda t: (t, 0)),
            pl.BlockSpec((2 * B, EW), lambda t: (t, 0)),
            _small((H, 2 * H)),
            _small((H, 1)),
            _small((H, H)),
            _small((H, 1)),
        ],
        out_specs=[_small((H, B)), _small((H, B))],
        out_shape=[jax.ShapeDtypeStruct((H, B), jnp.float32)] * 2,
        scratch_shapes=[
            pltpu.VMEM((H, B), jnp.float32),
            pltpu.VMEM((H, B), jnp.float32),
        ],
        interpret=interpret,
    )(xt_u, xt_i, e_du, e_di, w1T, b1, w2, b2)


def _tc_final(e_su, e_si, acc_u, acc_i, xt_u, xt_i, w1T, b1, w2, b2,
              gw1T, gb1, gw2, gb2, interpret=False):
    return pl.pallas_call(
        _tc_final_body,
        grid=(K // 2 + 1,),
        in_specs=[
            pl.BlockSpec((2, H, B), lambda t: (t + K // 2, 0, 0)),
            pl.BlockSpec((2, H, B), lambda t: (t + K // 2, 0, 0)),
            pl.BlockSpec((2 * B, EW), lambda t: (t, 0)),
            pl.BlockSpec((2 * B, EW), lambda t: (t, 0)),
            _small((H, B)),
            _small((H, B)),
            _small((H, 2 * H)),
            _small((H, 1)),
            _small((H, H)),
            _small((H, 1)),
            _small((H, 2 * H)),
            _small((H, 1)),
            _small((H, H)),
            _small((H, 1)),
        ],
        out_specs=pl.BlockSpec((B,), lambda t: (0,)),
        out_shape=jax.ShapeDtypeStruct((B,), jnp.float32),
        scratch_shapes=[
            pltpu.VMEM((H, B), jnp.float32),
            pltpu.VMEM((H, B), jnp.float32),
        ],
        interpret=interpret,
    )(xt_u, xt_i, e_su, e_si, acc_u, acc_i, w1T, b1, w2, b2,
      gw1T, gb1, gw2, gb2)


def kernel(user_inds, item_inds, user_ne_items, user_ne_users, item_ne_users,
           item_ne_items, user_text_feats, item_text_feats, user_emb, item_emb,
           node_W1, node_b1, node_W2, node_b2, att_W1, att_b1, att_W2, att_b2,
           g_W1, g_b1, g_W2, g_b2):
    i32 = jnp.int32
    u_diff = user_ne_items.astype(i32).T.reshape(NW, J1, C1)
    i_diff = item_ne_users.astype(i32).T.reshape(NW, J1, C1)
    u_same = jnp.concatenate(
        [user_ne_users.astype(i32).T.reshape(-1), user_inds.astype(i32)]
    ).reshape(NW, J2, C2)
    i_same = jnp.concatenate(
        [item_ne_items.astype(i32).T.reshape(-1), item_inds.astype(i32)]
    ).reshape(NW, J2, C2)

    e_du, e_di = _sc_gather_diff(user_emb, item_emb, u_diff, i_diff)
    e_su, e_si = _sc_gather_same(user_emb, item_emb, u_same, i_same)

    xt_u = jnp.transpose(user_text_feats, (1, 2, 0))
    xt_i = jnp.transpose(item_text_feats, (1, 2, 0))
    w1T = node_W1.T
    gw1T = g_W1.T
    b1 = node_b1.reshape(H, 1)
    b2 = node_b2.reshape(H, 1)
    gb1 = g_b1.reshape(H, 1)
    gb2 = g_b2.reshape(H, 1)

    acc_u, acc_i = _tc_diff(e_du, e_di, xt_u, xt_i, w1T, b1, node_W2, b2)
    return _tc_final(e_su, e_si, acc_u, acc_i, xt_u, xt_i, w1T, b1,
                     node_W2, b2, gw1T, gb1, g_W2, gb2)

# --- scband reference (transcript-rebuilt; emitter-appended) ---
"""Pipeline reference for scband-gatgraph-24343874633945 (READ-ONLY COPY).

The authoritative reference and input builder live on the scoring server;
editing this copy changes nothing except your own understanding.
"""

import jax, jax.numpy as jnp
import numpy as np

B = 1024
K = 20
H = 64
NU = 100000
NI = 100000

PNAMES = ['node_W1','node_b1','node_W2','node_b2','att_W1','att_b1','att_W2','att_b2','g_W1','g_b1','g_W2','g_b2']


def setup_inputs(seed: int = 0) -> dict:
    key = jax.random.key(seed)
    ks = jax.random.split(key, 20)
    def rn(k, shape, s=0.05):
        return jax.random.normal(k, shape, dtype=jnp.float32) * s
    inp = {
        'user_inds': jax.random.randint(ks[0], (B,), 0, NU),
        'item_inds': jax.random.randint(ks[1], (B,), 0, NI),
        'user_ne_items': jax.random.randint(ks[2], (B, K), 0, NI),
        'user_ne_users': jax.random.randint(ks[3], (B, K), 0, NU),
        'item_ne_users': jax.random.randint(ks[4], (B, K), 0, NU),
        'item_ne_items': jax.random.randint(ks[5], (B, K), 0, NI),
        'user_text_feats': rn(ks[6], (B, 3 * K + 1, H), 0.5),
        'item_text_feats': rn(ks[7], (B, 3 * K + 1, H), 0.5),
        'user_emb': rn(ks[8], (NU, H)),
        'item_emb': rn(ks[9], (NI, H)),
        'node_W1': rn(ks[10], (2 * H, H)), 'node_b1': jnp.zeros((H,), jnp.float32),
        'node_W2': rn(ks[11], (H, H)), 'node_b2': jnp.zeros((H,), jnp.float32),
        'att_W1': rn(ks[12], (3 * H, H)), 'att_b1': jnp.zeros((H,), jnp.float32),
        'att_W2': rn(ks[13], (H, 1)), 'att_b2': jnp.zeros((1,), jnp.float32),
        'g_W1': rn(ks[14], (2 * H, H)), 'g_b1': jnp.zeros((H,), jnp.float32),
        'g_W2': rn(ks[15], (H, H)), 'g_b2': jnp.zeros((H,), jnp.float32),
    }
    return inp


def _node_pref(inds, ne_diff, ne_same, text_feats, diff_table, same_table, p):
    # NodeEncoder: embedding gathers for diff-type and same-type neighbors + self
    Kl = ne_diff.shape[1]
    node_text = text_feats[:, :2 * Kl + 1, :]
    diff_emb = jnp.take(diff_table, ne_diff, axis=0)              # [B, K, H]
    same_all = jnp.concatenate([ne_same, inds[:, None]], axis=1)  # [B, K+1]
    same_emb = jnp.take(same_table, same_all, axis=0)             # [B, K+1, H]
    emb = jnp.concatenate([diff_emb, same_emb], axis=1)           # [B, 2K+1, H]
    h = jax.nn.relu(jnp.concatenate([node_text, emb], axis=-1) @ p['node_W1'] + p['node_b1'])
    h = jax.nn.relu(h @ p['node_W2'] + p['node_b2'])              # [B, 2K+1, H]
    ne = h[:, :2 * Kl, :]
    this = h[:, 2 * Kl, :]
    same_rel = ne[:, Kl:, :] * this[:, None, :]
    diff_rel = text_feats[:, 2 * Kl + 1:, :]                      # review-text encodings
    rel = jnp.concatenate([diff_rel, same_rel], axis=1)           # [B, 2K, H]
    # Attention module
    this_exp = jnp.broadcast_to(this[:, None, :], ne.shape)
    x = jnp.concatenate([this_exp, rel, ne], axis=-1)             # [B, 2K, 3H]
    x = jax.nn.relu(x @ p['att_W1'] + p['att_b1'])
    x = jax.nn.relu(x @ p['att_W2'] + p['att_b2'])                # [B, 2K, 1]
    att = jax.nn.softmax(x, axis=-1)                              # torch softmax(dim=1) on [2K,1]
    pref = jnp.einsum('bk,bkh->bh', att[..., 0], ne)              # att.t() @ ne_nodes
    return jnp.concatenate([this, pref], axis=-1)                 # [B, 2H]


def _transform(x, p):
    h = jax.nn.relu(x @ p['g_W1'] + p['g_b1'])
    return jax.nn.relu(h @ p['g_W2'] + p['g_b2'])


def reference(user_inds, item_inds, user_ne_items, user_ne_users, item_ne_users, item_ne_items,
              user_text_feats, item_text_feats, user_emb, item_emb,
              node_W1, node_b1, node_W2, node_b2, att_W1, att_b1, att_W2, att_b2,
              g_W1, g_b1, g_W2, g_b2):
    p = {'node_W1': node_W1, 'node_b1': node_b1, 'node_W2': node_W2, 'node_b2': node_b2,
         'att_W1': att_W1, 'att_b1': att_b1, 'att_W2': att_W2, 'att_b2': att_b2,
         'g_W1': g_W1, 'g_b1': g_b1, 'g_W2': g_W2, 'g_b2': g_b2}
    users_pref = _node_pref(user_inds, user_ne_items, user_ne_users, user_text_feats, item_emb, user_emb, p)
    items_pref = _node_pref(item_inds, item_ne_users, item_ne_items, item_text_feats, user_emb, item_emb, p)
    u = _transform(users_pref, p)
    i = _transform(items_pref, p)
    return jnp.sum(u * i, axis=-1)  # [B]

if __name__ == "__main__":
    import jax
    _d = setup_inputs()
    print(jax.jit(kernel)(*tuple(_d.values())))

</pallas_src>

<mosaic_0001>
#map = affine_map<(d0, d1) -> (0, 0)>
#map1 = affine_map<(d0, d1) -> (0, 0, 0)>
module attributes {stable_mosaic.version = 14 : i64} {
  func.func @k(%arg0: i32, %arg1: i32, %arg2: memref<100000x64xf32, #tpu.memory_space<hbm>>, %arg3: memref<100000x64xf32, #tpu.memory_space<hbm>>, %arg4: memref<32x6x112xi32, #tpu.memory_space<hbm>>, %arg5: memref<32x6x112xi32, #tpu.memory_space<hbm>>, %arg6: memref<22528x128xf32, #tpu.memory_space<hbm>>, %arg7: memref<22528x128xf32, #tpu.memory_space<hbm>>, %arg8: memref<6x112xi32, #tpu.memory_space<vmem>>, %arg9: memref<6x112xi32, #tpu.memory_space<vmem>>, %arg10: memref<1344x64xf32, #tpu.memory_space<vmem>>, %arg11: memref<!tpu.dma_semaphore, #tpu.memory_space<semaphore_mem>>) attributes {dimension_semantics = [#tpu.dimension_semantics<core_parallel>, #tpu.dimension_semantics<subcore_parallel>], iteration_bounds = array<i64: 2, 16>, scalar_prefetch = 0 : i64, scratch_operands = 4 : i64, tpu.core_type = #tpu.core_type<sc_vector_subcore>, window_params = [{transform_indices = #map}, {transform_indices = #map}, {transform_indices = #map1}, {transform_indices = #map1}, {transform_indices = #map}, {transform_indices = #map}]} {
    %mul3A = arith.constant 2 : i32
    %mul3A_0 = arith.muli %arg1, %mul3A : i32
    %add3A = arith.addi %mul3A_0, %arg0 : i32
    "tpu.region"() ({
      %run_scoped3A = tpu.sem_alloc : memref<!tpu.dma_semaphore, #tpu.memory_space<semaphore_mem>>
      %dma_start3A_243 = arith.constant 0 : i32
      %dma_start3A_244 = arith.constant 0 : i32
      %dma_start3A_245 = tpu.memref_slice %arg4[%add3A, %dma_start3A_243, %dma_start3A_244] : memref<32x6x112xi32, #tpu.memory_space<hbm>> -> memref<1x6x112xi32, #tpu.memory_space<hbm>>
      %dma_start3A_246 = tpu.memref_squeeze %dma_start3A_245 : memref<1x6x112xi32, #tpu.memory_space<hbm>> -> memref<6x112xi32, #tpu.memory_space<hbm>>
      %dma_start3A_247 = arith.constant 0 : i32
      %dma_start3A_248 = arith.constant 0 : i32
      %dma_start3A_249 = tpu.memref_slice %arg4[%add3A, %dma_start3A_247, %dma_start3A_248] : memref<32x6x112xi32, #tpu.memory_space<hbm>> -> memref<1x6x112xi32, #tpu.memory_space<hbm>>
      %dma_start3A_250 = tpu.memref_squeeze %dma_start3A_249 : memref<1x6x112xi32, #tpu.memory_space<hbm>> -> memref<6x112xi32, #tpu.memory_space<hbm>>
      tpu.enqueue_dma source(%dma_start3A_250 : memref<6x112xi32, #tpu.memory_space<hbm>>) target(%arg8 : memref<6x112xi32, #tpu.memory_space<vmem>>) target_semaphore(%run_scoped3A : memref<!tpu.dma_semaphore, #tpu.memory_space<semaphore_mem>>)
      %dma_wait3A_251 = arith.constant 0 : i32
      %dma_wait3A_252 = arith.constant 0 : i32
      %dma_wait3A_253 = tpu.memref_slice %arg4[%add3A, %dma_wait3A_251, %dma_wait3A_252] : memref<32x6x112xi32, #tpu.memory_space<hbm>> -> memref<1x6x112xi32, #tpu.memory_space<hbm>>
      %dma_wait3A_254 = tpu.memref_squeeze %dma_wait3A_253 : memref<1x6x112xi32, #tpu.memory_space<hbm>> -> memref<6x112xi32, #tpu.memory_space<hbm>>
      %dma_wait3A_255 = arith.constant 0 : i32
      %dma_wait3A_256 = arith.constant 0 : i32
      %dma_wait3A_257 = tpu.memref_slice %arg4[%add3A, %dma_wait3A_255, %dma_wait3A_256] : memref<32x6x112xi32, #tpu.memory_space<hbm>> -> memref<1x6x112xi32, #tpu.memory_space<hbm>>
      %dma_wait3A_258 = tpu.memref_squeeze %dma_wait3A_257 : memref<1x6x112xi32, #tpu.memory_space<hbm>> -> memref<6x112xi32, #tpu.memory_space<hbm>>
      tpu.wait_dma2 semaphore(%run_scoped3A : memref<!tpu.dma_semaphore, #tpu.memory_space<semaphore_mem>>) src(%dma_wait3A_258 : memref<6x112xi32, #tpu.memory_space<hbm>>) dst(%arg8 : memref<6x112xi32, #tpu.memory_space<vmem>>)
      tpu.yield
    }) : () -> ()
    "tpu.region"() ({
      %run_scoped3A = tpu.sem_alloc : memref<!tpu.dma_semaphore, #tpu.memory_space<semaphore_mem>>
      %dma_start3A_243 = arith.constant 0 : i32
      %dma_start3A_244 = arith.constant 0 : i32
      %dma_start3A_245 = tpu.memref_slice %arg5[%add3A, %dma_start3A_243, %dma_start3A_244] : memref<32x6x112xi32, #tpu.memory_space<hbm>> -> memref<1x6x112xi32, #tpu.memory_space<hbm>>
      %dma_start3A_246 = tpu.memref_squeeze %dma_start3A_245 : memref<1x6x112xi32, #tpu.memory_space<hbm>> -> memref<6x112xi32, #tpu.memory_space<hbm>>
      %dma_start3A_247 = arith.constant 0 : i32
      %dma_start3A_248 = arith.constant 0 : i32
      %dma_start3A_249 = tpu.memref_slice %arg5[%add3A, %dma_start3A_247, %dma_start3A_248] : memref<32x6x112xi32, #tpu.memory_space<hbm>> -> memref<1x6x112xi32, #tpu.memory_space<hbm>>
      %dma_start3A_250 = tpu.memref_squeeze %dma_start3A_249 : memref<1x6x112xi32, #tpu.memory_space<hbm>> -> memref<6x112xi32, #tpu.memory_space<hbm>>
      tpu.enqueue_dma source(%dma_start3A_250 : memref<6x112xi32, #tpu.memory_space<hbm>>) target(%arg9 : memref<6x112xi32, #tpu.memory_space<vmem>>) target_semaphore(%run_scoped3A : memref<!tpu.dma_semaphore, #tpu.memory_space<semaphore_mem>>)
      %dma_wait3A_251 = arith.constant 0 : i32
      %dma_wait3A_252 = arith.constant 0 : i32
      %dma_wait3A_253 = tpu.memref_slice %arg5[%add3A, %dma_wait3A_251, %dma_wait3A_252] : memref<32x6x112xi32, #tpu.memory_space<hbm>> -> memref<1x6x112xi32, #tpu.memory_space<hbm>>
      %dma_wait3A_254 = tpu.memref_squeeze %dma_wait3A_253 : memref<1x6x112xi32, #tpu.memory_space<hbm>> -> memref<6x112xi32, #tpu.memory_space<hbm>>
      %dma_wait3A_255 = arith.constant 0 : i32
      %dma_wait3A_256 = arith.constant 0 : i32
      %dma_wait3A_257 = tpu.memref_slice %arg5[%add3A, %dma_wait3A_255, %dma_wait3A_256] : memref<32x6x112xi32, #tpu.memory_space<hbm>> -> memref<1x6x112xi32, #tpu.memory_space<hbm>>
      %dma_wait3A_258 = tpu.memref_squeeze %dma_wait3A_257 : memref<1x6x112xi32, #tpu.memory_space<hbm>> -> memref<6x112xi32, #tpu.memory_space<hbm>>
      tpu.wait_dma2 semaphore(%run_scoped3A : memref<!tpu.dma_semaphore, #tpu.memory_space<semaphore_mem>>) src(%dma_wait3A_258 : memref<6x112xi32, #tpu.memory_space<hbm>>) dst(%arg9 : memref<6x112xi32, #tpu.memory_space<vmem>>)
      tpu.yield
    }) : () -> ()
    %dma_start3A = arith.constant 0 : i32
    %dma_start3A_1 = arith.constant 0 : i32
    %dma_start3A_2 = arith.constant 0 : i32
    %dma_start3A_3 = tpu.memref_slice %arg10[%dma_start3A_1, %dma_start3A_2] : memref<1344x64xf32, #tpu.memory_space<vmem>> -> memref<112x64xf32, #tpu.memory_space<vmem>>
    %dma_start3A_4 = arith.constant 0 : i32
    %dma_start3A_5 = tpu.memref_slice %arg8[%dma_start3A, %dma_start3A_4] : memref<6x112xi32, #tpu.memory_space<vmem>> -> memref<1x112xi32, #tpu.memory_space<vmem>>
    %dma_start3A_6 = tpu.memref_squeeze %dma_start3A_5 : memref<1x112xi32, #tpu.memory_space<vmem>> -> memref<112xi32, #tpu.memory_space<vmem>>
    %dma_start3A_7 = arith.constant 0 : i32
    %dma_start3A_8 = arith.constant 0 : i32
    %dma_start3A_9 = tpu.memref_slice %arg2[%dma_start3A_7, %dma_start3A_8] : memref<100000x64xf32, #tpu.memory_space<hbm>> -> memref<100000x64xf32, #tpu.memory_space<hbm>>
    tpu.enqueue_indirect_dma source(%dma_start3A_9 : memref<100000x64xf32, #tpu.memory_space<hbm>>) target(%dma_start3A_3 : memref<112x64xf32, #tpu.memory_space<vmem>>) offsets(%dma_start3A_6 : memref<112xi32, #tpu.memory_space<vmem>>) semaphore(%arg11 : memref<!tpu.dma_semaphore, #tpu.memory_space<semaphore_mem>>)
    %dma_start3A_10 = arith.constant 1 : i32
    %dma_start3A_11 = arith.constant 112 : i32
    %dma_start3A_12 = arith.constant 0 : i32
    %dma_start3A_13 = tpu.memref_slice %arg10[%dma_start3A_11, %dma_start3A_12] : memref<1344x64xf32, #tpu.memory_space<vmem>> -> memref<112x64xf32, #tpu.memory_space<vmem>>
    %dma_start3A_14 = arith.constant 0 : i32
    %dma_start3A_15 = tpu.memref_slice %arg8[%dma_start3A_10, %dma_start3A_14] : memref<6x112xi32, #tpu.memory_space<vmem>> -> memref<1x112xi32, #tpu.memory_space<vmem>>
    %dma_start3A_16 = tpu.memref_squeeze %dma_start3A_15 : memref<1x112xi32, #tpu.memory_space<vmem>> -> memref<112xi32, #tpu.memory_space<vmem>>
    %dma_start3A_17 = arith.constant 0 : i32
    %dma_start3A_18 = arith.constant 0 : i32
    %dma_start3A_19 = tpu.memref_slice %arg2[%dma_start3A_17, %dma_start3A_18] : memref<100000x64xf32, #tpu.memory_space<hbm>> -> memref<100000x64xf32, #tpu.memory_space<hbm>>
    tpu.enqueue_indirect_dma source(%dma_start3A_19 : memref<100000x64xf32, #tpu.memory_space<hbm>>) target(%dma_start3A_13 : memref<112x64xf32, #tpu.memory_space<vmem>>) offsets(%dma_start3A_16 : memref<112xi32, #tpu.memory_space<vmem>>) semaphore(%arg11 : memref<!tpu.dma_semaphore, #tpu.memory_space<semaphore_mem>>)
    %dma_start3A_20 = arith.constant 2 : i32
    %dma_start3A_21 = arith.constant 224 : i32
    %dma_start3A_22 = arith.constant 0 : i32
    %dma_start3A_23 = tpu.memref_slice %arg10[%dma_start3A_21, %dma_start3A_22] : memref<1344x64xf32, #tpu.memory_space<vmem>> -> memref<112x64xf32, #tpu.memory_space<vmem>>
    %dma_start3A_24 = arith.constant 0 : i32
    %dma_start3A_25 = tpu.memref_slice %arg8[%dma_start3A_20, %dma_start3A_24] : memref<6x112xi32, #tpu.memory_space<vmem>> -> memref<1x112xi32, #tpu.memory_space<vmem>>
    %dma_start3A_26 = tpu.memref_squeeze %dma_start3A_25 : memref<1x112xi32, #tpu.memory_space<vmem>> -> memref<112xi32, #tpu.memory_space<vmem>>
    %dma_start3A_27 = arith.constant 0 : i32
    %dma_start3A_28 = arith.constant 0 : i32
    %dma_start3A_29 = tpu.memref_slice %arg2[%dma_start3A_27, %dma_start3A_28] : memref<100000x64xf32, #tpu.memory_space<hbm>> -> memref<100000x64xf32, #tpu.memory_space<hbm>>
    tpu.enqueue_indirect_dma source(%dma_start3A_29 : memref<100000x64xf32, #tpu.memory_space<hbm>>) target(%dma_start3A_23 : memref<112x64xf32, #tpu.memory_space<vmem>>) offsets(%dma_start3A_26 : memref<112xi32, #tpu.memory_space<vmem>>) semaphore(%arg11 : memref<!tpu.dma_semaphore, #tpu.memory_space<semaphore_mem>>)
    %dma_start3A_30 = arith.constant 3 : i32
    %dma_start3A_31 = arith.constant 336 : i32
    %dma_start3A_32 = arith.constant 0 : i32
    %dma_start3A_33 = tpu.memref_slice %arg10[%dma_start3A_31, %dma_start3A_32] : memref<1344x64xf32, #tpu.memory_space<vmem>> -> memref<112x64xf32, #tpu.memory_space<vmem>>
    %dma_start3A_34 = arith.constant 0 : i32
    %dma_start3A_35 = tpu.memref_slice %arg8[%dma_start3A_30, %dma_start3A_34] : memref<6x112xi32, #tpu.memory_space<vmem>> -> memref<1x112xi32, #tpu.memory_space<vmem>>
    %dma_start3A_36 = tpu.memref_squeeze %dma_start3A_35 : memref<1x112xi32, #tpu.memory_space<vmem>> -> memref<112xi32, #tpu.memory_space<vmem>>
    %dma_start3A_37 = arith.constant 0 : i32
    %dma_start3A_38 = arith.constant 0 : i32
    %dma_start3A_39 = tpu.memref_slice %arg2[%dma_start3A_37, %dma_start3A_38] : memref<100000x64xf32, #tpu.memory_space<hbm>> -> memref<100000x64xf32, #tpu.memory_space<hbm>>
    tpu.enqueue_indirect_dma source(%dma_start3A_39 : memref<100000x64xf32, #tpu.memory_space<hbm>>) target(%dma_start3A_33 : memref<112x64xf32, #tpu.memory_space<vmem>>) offsets(%dma_start3A_36 : memref<112xi32, #tpu.memory_space<vmem>>) semaphore(%arg11 : memref<!tpu.dma_semaphore, #tpu.memory_space<semaphore_mem>>)
    %dma_start3A_40 = arith.constant 4 : i32
    %dma_start3A_41 = arith.constant 448 : i32
    %dma_start3A_42 = arith.constant 0 : i32
    %dma_start3A_43 = tpu.memref_slice %arg10[%dma_start3A_41, %dma_start3A_42] : memref<1344x64xf32, #tpu.memory_space<vmem>> -> memref<112x64xf32, #tpu.memory_space<vmem>>
    %dma_start3A_44 = arith.constant 0 : i32
    %dma_start3A_45 = tpu.memref_slice %arg8[%dma_start3A_40, %dma_start3A_44] : memref<6x112xi32, #tpu.memory_space<vmem>> -> memref<1x112xi32, #tpu.memory_space<vmem>>
    %dma_start3A_46 = tpu.memref_squeeze %dma_start3A_45 : memref<1x112xi32, #tpu.memory_space<vmem>> -> memref<112xi32, #tpu.memory_space<vmem>>
    %dma_start3A_47 = arith.constant 0 : i32
    %dma_start3A_48 = arith.constant 0 : i32
    %dma_start3A_49 = tpu.memref_slice %arg2[%dma_start3A_47, %dma_start3A_48] : memref<100000x64xf32, #tpu.memory_space<hbm>> -> memref<100000x64xf32, #tpu.memory_space<hbm>>
    tpu.enqueue_indirect_dma source(%dma_start3A_49 : memref<100000x64xf32, #tpu.memory_space<hbm>>) target(%dma_start3A_43 : memref<112x64xf32, #tpu.memory_space<vmem>>) offsets(%dma_start3A_46 : memref<112xi32, #tpu.memory_space<vmem>>) semaphore(%arg11 : memref<!tpu.dma_semaphore, #tpu.memory_space<semaphore_mem>>)
    %dma_start3A_50 = arith.constant 5 : i32
    %dma_start3A_51 = arith.constant 560 : i32
    %dma_start3A_52 = arith.constant 0 : i32
    %dma_start3A_53 = tpu.memref_slice %arg10[%dma_start3A_51, %dma_start3A_52] : memref<1344x64xf32, #tpu.memory_space<vmem>> -> memref<112x64xf32, #tpu.memory_space<vmem>>
    %dma_start3A_54 = arith.constant 0 : i32
    %dma_start3A_55 = tpu.memref_slice %arg8[%dma_start3A_50, %dma_start3A_54] : memref<6x112xi32, #tpu.memory_space<vmem>> -> memref<1x112xi32, #tpu.memory_space<vmem>>
    %dma_start3A_56 = tpu.memref_squeeze %dma_start3A_55 : memref<1x112xi32, #tpu.memory_space<vmem>> -> memref<112xi32, #tpu.memory_space<vmem>>
    %dma_start3A_57 = arith.constant 0 : i32
    %dma_start3A_58 = arith.constant 0 : i32
    %dma_start3A_59 = tpu.memref_slice %arg2[%dma_start3A_57, %dma_start3A_58] : memref<100000x64xf32, #tpu.memory_space<hbm>> -> memref<100000x64xf32, #tpu.memory_space<hbm>>
    tpu.enqueue_indirect_dma source(%dma_start3A_59 : memref<100000x64xf32, #tpu.memory_space<hbm>>) target(%dma_start3A_53 : memref<112x64xf32, #tpu.memory_space<vmem>>) offsets(%dma_start3A_56 : memref<112xi32, #tpu.memory_space<vmem>>) semaphore(%arg11 : memref<!tpu.dma_semaphore, #tpu.memory_space<semaphore_mem>>)
    %dma_start3A_60 = arith.constant 0 : i32
    %dma_start3A_61 = arith.constant 672 : i32
    %dma_start3A_62 = arith.constant 0 : i32
    %dma_start3A_63 = tpu.memref_slice %arg10[%dma_start3A_61, %dma_start3A_62] : memref<1344x64xf32, #tpu.memory_space<vmem>> -> memref<112x64xf32, #tpu.memory_space<vmem>>
    %dma_start3A_64 = arith.constant 0 : i32
    %dma_start3A_65 = tpu.memref_slice %arg9[%dma_start3A_60, %dma_start3A_64] : memref<6x112xi32, #tpu.memory_space<vmem>> -> memref<1x112xi32, #tpu.memory_space<vmem>>
    %dma_start3A_66 = tpu.memref_squeeze %dma_start3A_65 : memref<1x112xi32, #tpu.memory_space<vmem>> -> memref<112xi32, #tpu.memory_space<vmem>>
    %dma_start3A_67 = arith.constant 0 : i32
    %dma_start3A_68 = arith.constant 0 : i32
    %dma_start3A_69 = tpu.memref_slice %arg3[%dma_start3A_67, %dma_start3A_68] : memref<100000x64xf32, #tpu.memory_space<hbm>> -> memref<100000x64xf32, #tpu.memory_space<hbm>>
    tpu.enqueue_indirect_dma source(%dma_start3A_69 : memref<100000x64xf32, #tpu.memory_space<hbm>>) target(%dma_start3A_63 : memref<112x64xf32, #tpu.memory_space<vmem>>) offsets(%dma_start3A_66 : memref<112xi32, #tpu.memory_space<vmem>>) semaphore(%arg11 : memref<!tpu.dma_semaphore, #tpu.memory_space<semaphore_mem>>)
    %dma_start3A_70 = arith.constant 1 : i32
    %dma_start3A_71 = arith.constant 784 : i32
    %dma_start3A_72 = arith.constant 0 : i32
    %dma_start3A_73 = tpu.memref_slice %arg10[%dma_start3A_71, %dma_start3A_72] : memref<1344x64xf32, #tpu.memory_space<vmem>> -> memref<112x64xf32, #tpu.memory_space<vmem>>
    %dma_start3A_74 = arith.constant 0 : i32
    %dma_start3A_75 = tpu.memref_slice %arg9[%dma_start3A_70, %dma_start3A_74] : memref<6x112xi32, #tpu.memory_space<vmem>> -> memref<1x112xi32, #tpu.memory_space<vmem>>
    %dma_start3A_76 = tpu.memref_squeeze %dma_start3A_75 : memref<1x112xi32, #tpu.memory_space<vmem>> -> memref<112xi32, #tpu.memory_space<vmem>>
    %dma_start3A_77 = arith.constant 0 : i32
    %dma_start3A_78 = arith.constant 0 : i32
    %dma_start3A_79 = tpu.memref_slice %arg3[%dma_start3A_77, %dma_start3A_78] : memref<100000x64xf32, #tpu.memory_space<hbm>> -> memref<100000x64xf32, #tpu.memory_space<hbm>>
    tpu.enqueue_indirect_dma source(%dma_start3A_79 : memref<100000x64xf32, #tpu.memory_space<hbm>>) target(%dma_start3A_73 : memref<112x64xf32, #tpu.memory_space<vmem>>) offsets(%dma_start3A_76 : memref<112xi32, #tpu.memory_space<vmem>>) semaphore(%arg11 : memref<!tpu.dma_semaphore, #tpu.memory_space<semaphore_mem>>)
    %dma_start3A_80 = arith.constant 2 : i32
    %dma_start3A_81 = arith.constant 896 : i32
    %dma_start3A_82 = arith.constant 0 : i32
    %dma_start3A_83 = tpu.memref_slice %arg10[%dma_start3A_81, %dma_start3A_82] : memref<1344x64xf32, #tpu.memory_space<vmem>> -> memref<112x64xf32, #tpu.memory_space<vmem>>
    %dma_start3A_84 = arith.constant 0 : i32
    %dma_start3A_85 = tpu.memref_slice %arg9[%dma_start3A_80, %dma_start3A_84] : memref<6x112xi32, #tpu.memory_space<vmem>> -> memref<1x112xi32, #tpu.memory_space<vmem>>
    %dma_start3A_86 = tpu.memref_squeeze %dma_start3A_85 : memref<1x112xi32, #tpu.memory_space<vmem>> -> memref<112xi32, #tpu.memory_space<vmem>>
    %dma_start3A_87 = arith.constant 0 : i32
    %dma_start3A_88 = arith.constant 0 : i32
    %dma_start3A_89 = tpu.memref_slice %arg3[%dma_start3A_87, %dma_start3A_88] : memref<100000x64xf32, #tpu.memory_space<hbm>> -> memref<100000x64xf32, #tpu.memory_space<hbm>>
    tpu.enqueue_indirect_dma source(%dma_start3A_89 : memref<100000x64xf32, #tpu.memory_space<hbm>>) target(%dma_start3A_83 : memref<112x64xf32, #tpu.memory_space<vmem>>) offsets(%dma_start3A_86 : memref<112xi32, #tpu.memory_space<vmem>>) semaphore(%arg11 : memref<!tpu.dma_semaphore, #tpu.memory_space<semaphore_mem>>)
    %dma_start3A_90 = arith.constant 3 : i32
    %dma_start3A_91 = arith.constant 1008 : i32
    %dma_start3A_92 = arith.constant 0 : i32
    %dma_start3A_93 = tpu.memref_slice %arg10[%dma_start3A_91, %dma_start3A_92] : memref<1344x64xf32, #tpu.memory_space<vmem>> -> memref<112x64xf32, #tpu.memory_space<vmem>>
    %dma_start3A_94 = arith.constant 0 : i32
    %dma_start3A_95 = tpu.memref_slice %arg9[%dma_start3A_90, %dma_start3A_94] : memref<6x112xi32, #tpu.memory_space<vmem>> -> memref<1x112xi32, #tpu.memory_space<vmem>>
    %dma_start3A_96 = tpu.memref_squeeze %dma_start3A_95 : memref<1x112xi32, #tpu.memory_space<vmem>> -> memref<112xi32, #tpu.memory_space<vmem>>
    %dma_start3A_97 = arith.constant 0 : i32
    %dma_start3A_98 = arith.constant 0 : i32
    %dma_start3A_99 = tpu.memref_slice %arg3[%dma_start3A_97, %dma_start3A_98] : memref<100000x64xf32, #tpu.memory_space<hbm>> -> memref<100000x64xf32, #tpu.memory_space<hbm>>
    tpu.enqueue_indirect_dma source(%dma_start3A_99 : memref<100000x64xf32, #tpu.memory_space<hbm>>) target(%dma_start3A_93 : memref<112x64xf32, #tpu.memory_space<vmem>>) offsets(%dma_start3A_96 : memref<112xi32, #tpu.memory_space<vmem>>) semaphore(%arg11 : memref<!tpu.dma_semaphore, #tpu.memory_space<semaphore_mem>>)
    %dma_start3A_100 = arith.constant 4 : i32
    %dma_start3A_101 = arith.constant 1120 : i32
    %dma_start3A_102 = arith.constant 0 : i32
    %dma_start3A_103 = tpu.memref_slice %arg10[%dma_start3A_101, %dma_start3A_102] : memref<1344x64xf32, #tpu.memory_space<vmem>> -> memref<112x64xf32, #tpu.memory_space<vmem>>
    %dma_start3A_104 = arith.constant 0 : i32
    %dma_start3A_105 = tpu.memref_slice %arg9[%dma_start3A_100, %dma_start3A_104] : memref<6x112xi32, #tpu.memory_space<vmem>> -> memref<1x112xi32, #tpu.memory_space<vmem>>
    %dma_start3A_106 = tpu.memref_squeeze %dma_start3A_105 : memref<1x112xi32, #tpu.memory_space<vmem>> -> memref<112xi32, #tpu.memory_space<vmem>>
    %dma_start3A_107 = arith.constant 0 : i32
    %dma_start3A_108 = arith.constant 0 : i32
    %dma_start3A_109 = tpu.memref_slice %arg3[%dma_start3A_107, %dma_start3A_108] : memref<100000x64xf32, #tpu.memory_space<hbm>> -> memref<100000x64xf32, #tpu.memory_space<hbm>>
    tpu.enqueue_indirect_dma source(%dma_start3A_109 : memref<100000x64xf32, #tpu.memory_space<hbm>>) target(%dma_start3A_103 : memref<112x64xf32, #tpu.memory_space<vmem>>) offsets(%dma_start3A_106 : memref<112xi32, #tpu.memory_space<vmem>>) semaphore(%arg11 : memref<!tpu.dma_semaphore, #tpu.memory_space<semaphore_mem>>)
    %dma_start3A_110 = arith.constant 5 : i32
    %dma_start3A_111 = arith.constant 1232 : i32
    %dma_start3A_112 = arith.constant 0 : i32
    %dma_start3A_113 = tpu.memref_slice %arg10[%dma_start3A_111, %dma_start3A_112] : memref<1344x64xf32, #tpu.memory_space<vmem>> -> memref<112x64xf32, #tpu.memory_space<vmem>>
    %dma_start3A_114 = arith.constant 0 : i32
    %dma_start3A_115 = tpu.memref_slice %arg9[%dma_start3A_110, %dma_start3A_114] : memref<6x112xi32, #tpu.memory_space<vmem>> -> memref<1x112xi32, #tpu.memory_space<vmem>>
    %dma_start3A_116 = tpu.memref_squeeze %dma_start3A_115 : memref<1x112xi32, #tpu.memory_space<vmem>> -> memref<112xi32, #tpu.memory_space<vmem>>
    %dma_start3A_117 = arith.constant 0 : i32
    %dma_start3A_118 = arith.constant 0 : i32
    %dma_start3A_119 = tpu.memref_slice %arg3[%dma_start3A_117, %dma_start3A_118] : memref<100000x64xf32, #tpu.memory_space<hbm>> -> memref<100000x64xf32, #tpu.memory_space<hbm>>
    tpu.enqueue_indirect_dma source(%dma_start3A_119 : memref<100000x64xf32, #tpu.memory_space<hbm>>) target(%dma_start3A_113 : memref<112x64xf32, #tpu.memory_space<vmem>>) offsets(%dma_start3A_116 : memref<112xi32, #tpu.memory_space<vmem>>) semaphore(%arg11 : memref<!tpu.dma_semaphore, #tpu.memory_space<semaphore_mem>>)
    %dma_wait3A = arith.constant 0 : i32
    %dma_wait3A_120 = arith.constant 0 : i32
    %dma_wait3A_121 = arith.constant 0 : i32
    %dma_wait3A_122 = tpu.memref_slice %arg10[%dma_wait3A_120, %dma_wait3A_121] : memref<1344x64xf32, #tpu.memory_space<vmem>> -> memref<112x64xf32, #tpu.memory_space<vmem>>
    %dma_wait3A_123 = arith.constant 0 : i32
    %dma_wait3A_124 = tpu.memref_slice %arg8[%dma_wait3A, %dma_wait3A_123] : memref<6x112xi32, #tpu.memory_space<vmem>> -> memref<1x112xi32, #tpu.memory_space<vmem>>
    %dma_wait3A_125 = tpu.memref_squeeze %dma_wait3A_124 : memref<1x112xi32, #tpu.memory_space<vmem>> -> memref<112xi32, #tpu.memory_space<vmem>>
    %dma_wait3A_126 = arith.constant 0 : i32
    %dma_wait3A_127 = arith.constant 0 : i32
    %dma_wait3A_128 = tpu.memref_slice %arg2[%dma_wait3A_126, %dma_wait3A_127] : memref<100000x64xf32, #tpu.memory_space<hbm>> -> memref<100000x64xf32, #tpu.memory_space<hbm>>
    tpu.wait_indirect_dma semaphore(%arg11 : memref<!tpu.dma_semaphore, #tpu.memory_space<semaphore_mem>>) src(%dma_wait3A_128 : memref<100000x64xf32, #tpu.memory_space<hbm>>) dst(%dma_wait3A_122 : memref<112x64xf32, #tpu.memory_space<vmem>>)
    %dma_wait3A_129 = arith.constant 1 : i32
    %dma_wait3A_130 = arith.constant 112 : i32
    %dma_wait3A_131 = arith.constant 0 : i32
    %dma_wait3A_132 = tpu.memref_slice %arg10[%dma_wait3A_130, %dma_wait3A_131] : memref<1344x64xf32, #tpu.memory_space<vmem>> -> memref<112x64xf32, #tpu.memory_space<vmem>>
    %dma_wait3A_133 = arith.constant 0 : i32
    %dma_wait3A_134 = tpu.memref_slice %arg8[%dma_wait3A_129, %dma_wait3A_133] : memref<6x112xi32, #tpu.memory_space<vmem>> -> memref<1x112xi32, #tpu.memory_space<vmem>>
    %dma_wait3A_135 = tpu.memref_squeeze %dma_wait3A_134 : memref<1x112xi32, #tpu.memory_space<vmem>> -> memref<112xi32, #tpu.memory_space<vmem>>
    %dma_wait3A_136 = arith.constant 0 : i32
    %dma_wait3A_137 = arith.constant 0 : i32
    %dma_wait3A_138 = tpu.memref_slice %arg2[%dma_wait3A_136, %dma_wait3A_137] : memref<100000x64xf32, #tpu.memory_space<hbm>> -> memref<100000x64xf32, #tpu.memory_space<hbm>>
    tpu.wait_indirect_dma semaphore(%arg11 : memref<!tpu.dma_semaphore, #tpu.memory_space<semaphore_mem>>) src(%dma_wait3A_138 : memref<100000x64xf32, #tpu.memory_space<hbm>>) dst(%dma_wait3A_132 : memref<112x64xf32, #tpu.memory_space<vmem>>)
    %dma_wait3A_139 = arith.constant 2 : i32
    %dma_wait3A_140 = arith.constant 224 : i32
    %dma_wait3A_141 = arith.constant 0 : i32
    %dma_wait3A_142 = tpu.memref_slice %arg10[%dma_wait3A_140, %dma_wait3A_141] : memref<1344x64xf32, #tpu.memory_space<vmem>> -> memref<112x64xf32, #tpu.memory_space<vmem>>
    %dma_wait3A_143 = arith.constant 0 : i32
    %dma_wait3A_144 = tpu.memref_slice %arg8[%dma_wait3A_139, %dma_wait3A_143] : memref<6x112xi32, #tpu.memory_space<vmem>> -> memref<1x112xi32, #tpu.memory_space<vmem>>
    %dma_wait3A_145 = tpu.memref_squeeze %dma_wait3A_144 : memref<1x112xi32, #tpu.memory_space<vmem>> -> memref<112xi32, #tpu.memory_space<vmem>>
    %dma_wait3A_146 = arith.constant 0 : i32
    %dma_wait3A_147 = arith.constant 0 : i32
    %dma_wait3A_148 = tpu.memref_slice %arg2[%dma_wait3A_146, %dma_wait3A_147] : memref<100000x64xf32, #tpu.memory_space<hbm>> -> memref<100000x64xf32, #tpu.memory_space<hbm>>
    tpu.wait_indirect_dma semaphore(%arg11 : memref<!tpu.dma_semaphore, #tpu.memory_space<semaphore_mem>>) src(%dma_wait3A_148 : memref<100000x64xf32, #tpu.memory_space<hbm>>) dst(%dma_wait3A_142 : memref<112x64xf32, #tpu.memory_space<vmem>>)
    %dma_wait3A_149 = arith.constant 3 : i32
    %dma_wait3A_150 = arith.constant 336 : i32
    %dma_wait3A_151 = arith.constant 0 : i32
    %dma_wait3A_152 = tpu.memref_slice %arg10[%dma_wait3A_150, %dma_wait3A_151] : memref<1344x64xf32, #tpu.memory_space<vmem>> -> memref<112x64xf32, #tpu.memory_space<vmem>>
    %dma_wait3A_153 = arith.constant 0 : i32
    %dma_wait3A_154 = tpu.memref_slice %arg8[%dma_wait3A_149, %dma_wait3A_153] : memref<6x112xi32, #tpu.memory_space<vmem>> -> memref<1x112xi32, #tpu.memory_space<vmem>>
    %dma_wait3A_155 = tpu.memref_squeeze %dma_wait3A_154 : memref<1x112xi32, #tpu.memory_space<vmem>> -> memref<112xi32, #tpu.memory_space<vmem>>
    %dma_wait3A_156 = arith.constant 0 : i32
    %dma_wait3A_157 = arith.constant 0 : i32
    %dma_wait3A_158 = tpu.memref_slice %arg2[%dma_wait3A_156, %dma_wait3A_157] : memref<100000x64xf32, #tpu.memory_space<hbm>> -> memref<100000x64xf32, #tpu.memory_space<hbm>>
    tpu.wait_indirect_dma semaphore(%arg11 : memref<!tpu.dma_semaphore, #tpu.memory_space<semaphore_mem>>) src(%dma_wait3A_158 : memref<100000x64xf32, #tpu.memory_space<hbm>>) dst(%dma_wait3A_152 : memref<112x64xf32, #tpu.memory_space<vmem>>)
    %dma_wait3A_159 = arith.constant 4 : i32
    %dma_wait3A_160 = arith.constant 448 : i32
    %dma_wait3A_161 = arith.constant 0 : i32
    %dma_wait3A_162 = tpu.memref_slice %arg10[%dma_wait3A_160, %dma_wait3A_161] : memref<1344x64xf32, #tpu.memory_space<vmem>> -> memref<112x64xf32, #tpu.memory_space<vmem>>
    %dma_wait3A_163 = arith.constant 0 : i32
    %dma_wait3A_164 = tpu.memref_slice %arg8[%dma_wait3A_159, %dma_wait3A_163] : memref<6x112xi32, #tpu.memory_space<vmem>> -> memref<1x112xi32, #tpu.memory_space<vmem>>
    %dma_wait3A_165 = tpu.memref_squeeze %dma_wait3A_164 : memref<1x112xi32, #tpu.memory_space<vmem>> -> memref<112xi32, #tpu.memory_space<vmem>>
    %dma_wait3A_166 = arith.constant 0 : i32
    %dma_wait3A_167 = arith.constant 0 : i32
    %dma_wait3A_168 = tpu.memref_slice %arg2[%dma_wait3A_166, %dma_wait3A_167] : memref<100000x64xf32, #tpu.memory_space<hbm>> -> memref<100000x64xf32, #tpu.memory_space<hbm>>
    tpu.wait_indirect_dma semaphore(%arg11 : memref<!tpu.dma_semaphore, #tpu.memory_space<semaphore_mem>>) src(%dma_wait3A_168 : memref<100000x64xf32, #tpu.memory_space<hbm>>) dst(%dma_wait3A_162 : memref<112x64xf32, #tpu.memory_space<vmem>>)
    %dma_wait3A_169 = arith.constant 5 : i32
    %dma_wait3A_170 = arith.constant 560 : i32
    %dma_wait3A_171 = arith.constant 0 : i32
    %dma_wait3A_172 = tpu.memref_slice %arg10[%dma_wait3A_170, %dma_wait3A_171] : memref<1344x64xf32, #tpu.memory_space<vmem>> -> memref<112x64xf32, #tpu.memory_space<vmem>>
    %dma_wait3A_173 = arith.constant 0 : i32
    %dma_wait3A_174 = tpu.memref_slice %arg8[%dma_wait3A_169, %dma_wait3A_173] : memref<6x112xi32, #tpu.memory_space<vmem>> -> memref<1x112xi32, #tpu.memory_space<vmem>>
    %dma_wait3A_175 = tpu.memref_squeeze %dma_wait3A_174 : memref<1x112xi32, #tpu.memory_space<vmem>> -> memref<112xi32, #tpu.memory_space<vmem>>
    %dma_wait3A_176 = arith.constant 0 : i32
    %dma_wait3A_177 = arith.constant 0 : i32
    %dma_wait3A_178 = tpu.memref_slice %arg2[%dma_wait3A_176, %dma_wait3A_177] : memref<100000x64xf32, #tpu.memory_space<hbm>> -> memref<100000x64xf32, #tpu.memory_space<hbm>>
    tpu.wait_indirect_dma semaphore(%arg11 : memref<!tpu.dma_semaphore, #tpu.memory_space<semaphore_mem>>) src(%dma_wait3A_178 : memref<100000x64xf32, #tpu.memory_space<hbm>>) dst(%dma_wait3A_172 : memref<112x64xf32, #tpu.memory_space<vmem>>)
    %dma_wait3A_179 = arith.constant 0 : i32
    %dma_wait3A_180 = arith.constant 672 : i32
    %dma_wait3A_181 = arith.constant 0 : i32
    %dma_wait3A_182 = tpu.memref_slice %arg10[%dma_wait3A_180, %dma_wait3A_181] : memref<1344x64xf32, #tpu.memory_space<vmem>> -> memref<112x64xf32, #tpu.memory_space<vmem>>
    %dma_wait3A_183 = arith.constant 0 : i32
    %dma_wait3A_184 = tpu.memref_slice %arg9[%dma_wait3A_179, %dma_wait3A_183] : memref<6x112xi32, #tpu.memory_space<vmem>> -> memref<1x112xi32, #tpu.memory_space<vmem>>
    %dma_wait3A_185 = tpu.memref_squeeze %dma_wait3A_184 : memref<1x112xi32, #tpu.memory_space<vmem>> -> memref<112xi32, #tpu.memory_space<vmem>>
    %dma_wait3A_186 = arith.constant 0 : i32
    %dma_wait3A_187 = arith.constant 0 : i32
    %dma_wait3A_188 = tpu.memref_slice %arg3[%dma_wait3A_186, %dma_wait3A_187] : memref<100000x64xf32, #tpu.memory_space<hbm>> -> memref<100000x64xf32, #tpu.memory_space<hbm>>
    tpu.wait_indirect_dma semaphore(%arg11 : memref<!tpu.dma_semaphore, #tpu.memory_space<semaphore_mem>>) src(%dma_wait3A_188 : memref<100000x64xf32, #tpu.memory_space<hbm>>) dst(%dma_wait3A_182 : memref<112x64xf32, #tpu.memory_space<vmem>>)
    %dma_wait3A_189 = arith.constant 1 : i32
    %dma_wait3A_190 = arith.constant 784 : i32
    %dma_wait3A_191 = arith.constant 0 : i32
    %dma_wait3A_192 = tpu.memref_slice %arg10[%dma_wait3A_190, %dma_wait3A_191] : memref<1344x64xf32, #tpu.memory_space<vmem>> -> memref<112x64xf32, #tpu.memory_space<vmem>>
    %dma_wait3A_193 = arith.constant 0 : i32
    %dma_wait3A_194 = tpu.memref_slice %arg9[%dma_wait3A_189, %dma_wait3A_193] : memref<6x112xi32, #tpu.memory_space<vmem>> -> memref<1x112xi32, #tpu.memory_space<vmem>>
    %dma_wait3A_195 = tpu.memref_squeeze %dma_wait3A_194 : memref<1x112xi32, #tpu.memory_space<vmem>> -> memref<112xi32, #tpu.memory_space<vmem>>
    %dma_wait3A_196 = arith.constant 0 : i32
    %dma_wait3A_197 = arith.constant 0 : i32
    %dma_wait3A_198 = tpu.memref_slice %arg3[%dma_wait3A_196, %dma_wait3A_197] : memref<100000x64xf32, #tpu.memory_space<hbm>> -> memref<100000x64xf32, #tpu.memory_space<hbm>>
    tpu.wait_indirect_dma semaphore(%arg11 : memref<!tpu.dma_semaphore, #tpu.memory_space<semaphore_mem>>) src(%dma_wait3A_198 : memref<100000x64xf32, #tpu.memory_space<hbm>>) dst(%dma_wait3A_192 : memref<112x64xf32, #tpu.memory_space<vmem>>)
    %dma_wait3A_199 = arith.constant 2 : i32
    %dma_wait3A_200 = arith.constant 896 : i32
    %dma_wait3A_201 = arith.constant 0 : i32
    %dma_wait3A_202 = tpu.memref_slice %arg10[%dma_wait3A_200, %dma_wait3A_201] : memref<1344x64xf32, #tpu.memory_space<vmem>> -> memref<112x64xf32, #tpu.memory_space<vmem>>
    %dma_wait3A_203 = arith.constant 0 : i32
    %dma_wait3A_204 = tpu.memref_slice %arg9[%dma_wait3A_199, %dma_wait3A_203] : memref<6x112xi32, #tpu.memory_space<vmem>> -> memref<1x112xi32, #tpu.memory_space<vmem>>
    %dma_wait3A_205 = tpu.memref_squeeze %dma_wait3A_204 : memref<1x112xi32, #tpu.memory_space<vmem>> -> memref<112xi32, #tpu.memory_space<vmem>>
    %dma_wait3A_206 = arith.constant 0 : i32
    %dma_wait3A_207 = arith.constant 0 : i32
    %dma_wait3A_208 = tpu.memref_slice %arg3[%dma_wait3A_206, %dma_wait3A_207] : memref<100000x64xf32, #tpu.memory_space<hbm>> -> memref<100000x64xf32, #tpu.memory_space<hbm>>
    tpu.wait_indirect_dma semaphore(%arg11 : memref<!tpu.dma_semaphore, #tpu.memory_space<semaphore_mem>>) src(%dma_wait3A_208 : memref<100000x64xf32, #tpu.memory_space<hbm>>) dst(%dma_wait3A_202 : memref<112x64xf32, #tpu.memory_space<vmem>>)
    %dma_wait3A_209 = arith.constant 3 : i32
    %dma_wait3A_210 = arith.constant 1008 : i32
    %dma_wait3A_211 = arith.constant 0 : i32
    %dma_wait3A_212 = tpu.memref_slice %arg10[%dma_wait3A_210, %dma_wait3A_211] : memref<1344x64xf32, #tpu.memory_space<vmem>> -> memref<112x64xf32, #tpu.memory_space<vmem>>
    %dma_wait3A_213 = arith.constant 0 : i32
    %dma_wait3A_214 = tpu.memref_slice %arg9[%dma_wait3A_209, %dma_wait3A_213] : memref<6x112xi32, #tpu.memory_space<vmem>> -> memref<1x112xi32, #tpu.memory_space<vmem>>
    %dma_wait3A_215 = tpu.memref_squeeze %dma_wait3A_214 : memref<1x112xi32, #tpu.memory_space<vmem>> -> memref<112xi32, #tpu.memory_space<vmem>>
    %dma_wait3A_216 = arith.constant 0 : i32
    %dma_wait3A_217 = arith.constant 0 : i32
    %dma_wait3A_218 = tpu.memref_slice %arg3[%dma_wait3A_216, %dma_wait3A_217] : memref<100000x64xf32, #tpu.memory_space<hbm>> -> memref<100000x64xf32, #tpu.memory_space<hbm>>
    tpu.wait_indirect_dma semaphore(%arg11 : memref<!tpu.dma_semaphore, #tpu.memory_space<semaphore_mem>>) src(%dma_wait3A_218 : memref<100000x64xf32, #tpu.memory_space<hbm>>) dst(%dma_wait3A_212 : memref<112x64xf32, #tpu.memory_space<vmem>>)
    %dma_wait3A_219 = arith.constant 4 : i32
    %dma_wait3A_220 = arith.constant 1120 : i32
    %dma_wait3A_221 = arith.constant 0 : i32
    %dma_wait3A_222 = tpu.memref_slice %arg10[%dma_wait3A_220, %dma_wait3A_221] : memref<1344x64xf32, #tpu.memory_space<vmem>> -> memref<112x64xf32, #tpu.memory_space<vmem>>
    %dma_wait3A_223 = arith.constant 0 : i32
    %dma_wait3A_224 = tpu.memref_slice %arg9[%dma_wait3A_219, %dma_wait3A_223] : memref<6x112xi32, #tpu.memory_space<vmem>> -> memref<1x112xi32, #tpu.memory_space<vmem>>
    %dma_wait3A_225 = tpu.memref_squeeze %dma_wait3A_224 : memref<1x112xi32, #tpu.memory_space<vmem>> -> memref<112xi32, #tpu.memory_space<vmem>>
    %dma_wait3A_226 = arith.constant 0 : i32
    %dma_wait3A_227 = arith.constant 0 : i32
    %dma_wait3A_228 = tpu.memref_slice %arg3[%dma_wait3A_226, %dma_wait3A_227] : memref<100000x64xf32, #tpu.memory_space<hbm>> -> memref<100000x64xf32, #tpu.memory_space<hbm>>
    tpu.wait_indirect_dma semaphore(%arg11 : memref<!tpu.dma_semaphore, #tpu.memory_space<semaphore_mem>>) src(%dma_wait3A_228 : memref<100000x64xf32, #tpu.memory_space<hbm>>) dst(%dma_wait3A_222 : memref<112x64xf32, #tpu.memory_space<vmem>>)
    %dma_wait3A_229 = arith.constant 5 : i32
    %dma_wait3A_230 = arith.constant 1232 : i32
    %dma_wait3A_231 = arith.constant 0 : i32
    %dma_wait3A_232 = tpu.memref_slice %arg10[%dma_wait3A_230, %dma_wait3A_231] : memref<1344x64xf32, #tpu.memory_space<vmem>> -> memref<112x64xf32, #tpu.memory_space<vmem>>
    %dma_wait3A_233 = arith.constant 0 : i32
    %dma_wait3A_234 = tpu.memref_slice %arg9[%dma_wait3A_229, %dma_wait3A_233] : memref<6x112xi32, #tpu.memory_space<vmem>> -> memref<1x112xi32, #tpu.memory_space<vmem>>
    %dma_wait3A_235 = tpu.memref_squeeze %dma_wait3A_234 : memref<1x112xi32, #tpu.memory_space<vmem>> -> memref<112xi32, #tpu.memory_space<vmem>>
    %dma_wait3A_236 = arith.constant 0 : i32
    %dma_wait3A_237 = arith.constant 0 : i32
    %dma_wait3A_238 = tpu.memref_slice %arg3[%dma_wait3A_236, %dma_wait3A_237] : memref<100000x64xf32, #tpu.memory_space<hbm>> -> memref<100000x64xf32, #tpu.memory_space<hbm>>
    tpu.wait_indirect_dma semaphore(%arg11 : memref<!tpu.dma_semaphore, #tpu.memory_space<semaphore_mem>>) src(%dma_wait3A_238 : memref<100000x64xf32, #tpu.memory_space<hbm>>) dst(%dma_wait3A_232 : memref<112x64xf32, #tpu.memory_space<vmem>>)
    %mul3A_239 = arith.constant 672 : i32
    %mul3A_240 = arith.muli %add3A, %mul3A_239 : i32
    "tpu.region"() ({
      %run_scoped3A = tpu.sem_alloc : memref<!tpu.dma_semaphore, #tpu.memory_space<semaphore_mem>>
      %dma_start3A_243 = arith.constant 0 : i32
      %dma_start3A_244 = arith.constant 0 : i32
      %dma_start3A_245 = tpu.memref_slice %arg10[%dma_start3A_243, %dma_start3A_244] : memref<1344x64xf32, #tpu.memory_space<vmem>> -> memref<672x64xf32, #tpu.memory_space<vmem>>
      %dma_start3A_246 = arith.constant 0 : i32
      %dma_start3A_247 = tpu.memref_slice %arg6[%mul3A_240, %dma_start3A_246] : memref<22528x128xf32, #tpu.memory_space<hbm>> -> memref<672x64xf32, #tpu.memory_space<hbm>>
      %dma_start3A_248 = arith.constant 0 : i32
      %dma_start3A_249 = tpu.memref_slice %arg6[%mul3A_240, %dma_start3A_248] : memref<22528x128xf32, #tpu.memory_space<hbm>> -> memref<672x64xf32, #tpu.memory_space<hbm>>
      %dma_start3A_250 = arith.constant 0 : i32
      %dma_start3A_251 = arith.constant 0 : i32
      %dma_start3A_252 = tpu.memref_slice %arg10[%dma_start3A_250, %dma_start3A_251] : memref<1344x64xf32, #tpu.memory_space<vmem>> -> memref<672x64xf32, #tpu.memory_space<vmem>>
      tpu.enqueue_dma source(%dma_start3A_252 : memref<672x64xf32, #tpu.memory_space<vmem>>) target(%dma_start3A_249 : memref<672x64xf32, #tpu.memory_space<hbm>>) target_semaphore(%run_scoped3A : memref<!tpu.dma_semaphore, #tpu.memory_space<semaphore_mem>>)
      %dma_wait3A_253 = arith.constant 0 : i32
      %dma_wait3A_254 = arith.constant 0 : i32
      %dma_wait3A_255 = tpu.memref_slice %arg10[%dma_wait3A_253, %dma_wait3A_254] : memref<1344x64xf32, #tpu.memory_space<vmem>> -> memref<672x64xf32, #tpu.memory_space<vmem>>
      %dma_wait3A_256 = arith.constant 0 : i32
      %dma_wait3A_257 = tpu.memref_slice %arg6[%mul3A_240, %dma_wait3A_256] : memref<22528x128xf32, #tpu.memory_space<hbm>> -> memref<672x64xf32, #tpu.memory_space<hbm>>
      %dma_wait3A_258 = arith.constant 0 : i32
      %dma_wait3A_259 = tpu.memref_slice %arg6[%mul3A_240, %dma_wait3A_258] : memref<22528x128xf32, #tpu.memory_space<hbm>> -> memref<672x64xf32, #tpu.memory_space<hbm>>
      %dma_wait3A_260 = arith.constant 0 : i32
      %dma_wait3A_261 = arith.constant 0 : i32
      %dma_wait3A_262 = tpu.memref_slice %arg10[%dma_wait3A_260, %dma_wait3A_261] : memref<1344x64xf32, #tpu.memory_space<vmem>> -> memref<672x64xf32, #tpu.memory_space<vmem>>
      tpu.wait_dma2 semaphore(%run_scoped3A : memref<!tpu.dma_semaphore, #tpu.memory_space<semaphore_mem>>) src(%dma_wait3A_262 : memref<672x64xf32, #tpu.memory_space<vmem>>) dst(%dma_wait3A_259 : memref<672x64xf32, #tpu.memory_space<hbm>>)
      tpu.yield
    }) : () -> ()
    %mul3A_241 = arith.constant 672 : i32
    %mul3A_242 = arith.muli %add3A, %mul3A_241 : i32
    "tpu.region"() ({
      %run_scoped3A = tpu.sem_alloc : memref<!tpu.dma_semaphore, #tpu.memory_space<semaphore_mem>>
      %dma_start3A_243 = arith.constant 672 : i32
      %dma_start3A_244 = arith.constant 0 : i32
      %dma_start3A_245 = tpu.memref_slice %arg10[%dma_start3A_243, %dma_start3A_244] : memref<1344x64xf32, #tpu.memory_space<vmem>> -> memref<672x64xf32, #tpu.memory_space<vmem>>
      %dma_start3A_246 = arith.constant 0 : i32
      %dma_start3A_247 = tpu.memref_slice %arg7[%mul3A_242, %dma_start3A_246] : memref<22528x128xf32, #tpu.memory_space<hbm>> -> memref<672x64xf32, #tpu.memory_space<hbm>>
      %dma_start3A_248 = arith.constant 0 : i32
      %dma_start3A_249 = tpu.memref_slice %arg7[%mul3A_242, %dma_start3A_248] : memref<22528x128xf32, #tpu.memory_space<hbm>> -> memref<672x64xf32, #tpu.memory_space<hbm>>
      %dma_start3A_250 = arith.constant 672 : i32
      %dma_start3A_251 = arith.constant 0 : i32
      %dma_start3A_252 = tpu.memref_slice %arg10[%dma_start3A_250, %dma_start3A_251] : memref<1344x64xf32, #tpu.memory_space<vmem>> -> memref<672x64xf32, #tpu.memory_space<vmem>>
      tpu.enqueue_dma source(%dma_start3A_252 : memref<672x64xf32, #tpu.memory_space<vmem>>) target(%dma_start3A_249 : memref<672x64xf32, #tpu.memory_space<hbm>>) target_semaphore(%run_scoped3A : memref<!tpu.dma_semaphore, #tpu.memory_space<semaphore_mem>>)
      %dma_wait3A_253 = arith.constant 672 : i32
      %dma_wait3A_254 = arith.constant 0 : i32
      %dma_wait3A_255 = tpu.memref_slice %arg10[%dma_wait3A_253, %dma_wait3A_254] : memref<1344x64xf32, #tpu.memory_space<vmem>> -> memref<672x64xf32, #tpu.memory_space<vmem>>
      %dma_wait3A_256 = arith.constant 0 : i32
      %dma_wait3A_257 = tpu.memref_slice %arg7[%mul3A_242, %dma_wait3A_256] : memref<22528x128xf32, #tpu.memory_space<hbm>> -> memref<672x64xf32, #tpu.memory_space<hbm>>
      %dma_wait3A_258 = arith.constant 0 : i32
      %dma_wait3A_259 = tpu.memref_slice %arg7[%mul3A_242, %dma_wait3A_258] : memref<22528x128xf32, #tpu.memory_space<hbm>> -> memref<672x64xf32, #tpu.memory_space<hbm>>
      %dma_wait3A_260 = arith.constant 672 : i32
      %dma_wait3A_261 = arith.constant 0 : i32
      %dma_wait3A_262 = tpu.memref_slice %arg10[%dma_wait3A_260, %dma_wait3A_261] : memref<1344x64xf32, #tpu.memory_space<vmem>> -> memref<672x64xf32, #tpu.memory_space<vmem>>
      tpu.wait_dma2 semaphore(%run_scoped3A : memref<!tpu.dma_semaphore, #tpu.memory_space<semaphore_mem>>) src(%dma_wait3A_262 : memref<672x64xf32, #tpu.memory_space<vmem>>) dst(%dma_wait3A_259 : memref<672x64xf32, #tpu.memory_space<hbm>>)
      tpu.yield
    }) : () -> ()
    return
  }
}

#map = affine_map<(d0, d1) -> (0, 0)>
#map1 = affine_map<(d0, d1) -> (0, 0, 0)>
module attributes {stable_mosaic.version = 14 : i64} {
  func.func @k(%arg0: i32, %arg1: i32, %arg2: memref<100000x64xf32, #tpu.memory_space<hbm>>, %arg3: memref<100000x64xf32, #tpu.memory_space<hbm>>, %arg4: memref<32x5x128xi32, #tpu.memory_space<hbm>>, %arg5: memref<32x5x128xi32, #tpu.memory_space<hbm>>, %arg6: memref<20480x128xf32, #tpu.memory_space<hbm>>, %arg7: memref<20480x128xf32, #tpu.memory_space<hbm>>, %arg8: memref<5x128xi32, #tpu.memory_space<vmem>>, %arg9: memref<5x128xi32, #tpu.memory_space<vmem>>, %arg10: memref<1280x64xf32, #tpu.memory_space<vmem>>, %arg11: memref<!tpu.dma_semaphore, #tpu.memory_space<semaphore_mem>>) attributes {dimension_semantics = [#tpu.dimension_semantics<core_parallel>, #tpu.dimension_semantics<subcore_parallel>], iteration_bounds = array<i64: 2, 16>, scalar_prefetch = 0 : i64, scratch_operands = 4 : i64, tpu.core_type = #tpu.core_type<sc_vector_subcore>, window_params = [{transform_indices = #map}, {transform_indices = #map}, {transform_indices = #map1}, {transform_indices = #map1}, {transform_indices = #map}, {transform_indices = #map}]} {
    %mul3A = arith.constant 2 : i32
    %mul3A_0 = arith.muli %arg1, %mul3A : i32
    %add3A = arith.addi %mul3A_0, %arg0 : i32
    "tpu.region"() ({
      %run_scoped3A = tpu.sem_alloc : memref<!tpu.dma_semaphore, #tpu.memory_space<semaphore_mem>>
      %dma_start3A_203 = arith.constant 0 : i32
      %dma_start3A_204 = arith.constant 0 : i32
      %dma_start3A_205 = tpu.memref_slice %arg4[%add3A, %dma_start3A_203, %dma_start3A_204] : memref<32x5x128xi32, #tpu.memory_space<hbm>> -> memref<1x5x128xi32, #tpu.memory_space<hbm>>
      %dma_start3A_206 = tpu.memref_squeeze %dma_start3A_205 : memref<1x5x128xi32, #tpu.memory_space<hbm>> -> memref<5x128xi32, #tpu.memory_space<hbm>>
      %dma_start3A_207 = arith.constant 0 : i32
      %dma_start3A_208 = arith.constant 0 : i32
      %dma_start3A_209 = tpu.memref_slice %arg4[%add3A, %dma_start3A_207, %dma_start3A_208] : memref<32x5x128xi32, #tpu.memory_space<hbm>> -> memref<1x5x128xi32, #tpu.memory_space<hbm>>
      %dma_start3A_210 = tpu.memref_squeeze %dma_start3A_209 : memref<1x5x128xi32, #tpu.memory_space<hbm>> -> memref<5x128xi32, #tpu.memory_space<hbm>>
      tpu.enqueue_dma source(%dma_start3A_210 : memref<5x128xi32, #tpu.memory_space<hbm>>) target(%arg8 : memref<5x128xi32, #tpu.memory_space<vmem>>) target_semaphore(%run_scoped3A : memref<!tpu.dma_semaphore, #tpu.memory_space<semaphore_mem>>)
      %dma_wait3A_211 = arith.constant 0 : i32
      %dma_wait3A_212 = arith.constant 0 : i32
      %dma_wait3A_213 = tpu.memref_slice %arg4[%add3A, %dma_wait3A_211, %dma_wait3A_212] : memref<32x5x128xi32, #tpu.memory_space<hbm>> -> memref<1x5x128xi32, #tpu.memory_space<hbm>>
      %dma_wait3A_214 = tpu.memref_squeeze %dma_wait3A_213 : memref<1x5x128xi32, #tpu.memory_space<hbm>> -> memref<5x128xi32, #tpu.memory_space<hbm>>
      %dma_wait3A_215 = arith.constant 0 : i32
      %dma_wait3A_216 = arith.constant 0 : i32
      %dma_wait3A_217 = tpu.memref_slice %arg4[%add3A, %dma_wait3A_215, %dma_wait3A_216] : memref<32x5x128xi32, #tpu.memory_space<hbm>> -> memref<1x5x128xi32, #tpu.memory_space<hbm>>
      %dma_wait3A_218 = tpu.memref_squeeze %dma_wait3A_217 : memref<1x5x128xi32, #tpu.memory_space<hbm>> -> memref<5x128xi32, #tpu.memory_space<hbm>>
      tpu.wait_dma2 semaphore(%run_scoped3A : memref<!tpu.dma_semaphore, #tpu.memory_space<semaphore_mem>>) src(%dma_wait3A_218 : memref<5x128xi32, #tpu.memory_space<hbm>>) dst(%arg8 : memref<5x128xi32, #tpu.memory_space<vmem>>)
      tpu.yield
    }) : () -> ()
    "tpu.region"() ({
      %run_scoped3A = tpu.sem_alloc : memref<!tpu.dma_semaphore, #tpu.memory_space<semaphore_mem>>
      %dma_start3A_203 = arith.constant 0 : i32
      %dma_start3A_204 = arith.constant 0 : i32
      %dma_start3A_205 = tpu.memref_slice %arg5[%add3A, %dma_start3A_203, %dma_start3A_204] : memref<32x5x128xi32, #tpu.memory_space<hbm>> -> memref<1x5x128xi32, #tpu.memory_space<hbm>>
      %dma_start3A_206 = tpu.memref_squeeze %dma_start3A_205 : memref<1x5x128xi32, #tpu.memory_space<hbm>> -> memref<5x128xi32, #tpu.memory_space<hbm>>
      %dma_start3A_207 = arith.constant 0 : i32
      %dma_start3A_208 = arith.constant 0 : i32
      %dma_start3A_209 = tpu.memref_slice %arg5[%add3A, %dma_start3A_207, %dma_start3A_208] : memref<32x5x128xi32, #tpu.memory_space<hbm>> -> memref<1x5x128xi32, #tpu.memory_space<hbm>>
      %dma_start3A_210 = tpu.memref_squeeze %dma_start3A_209 : memref<1x5x128xi32, #tpu.memory_space<hbm>> -> memref<5x128xi32, #tpu.memory_space<hbm>>
      tpu.enqueue_dma source(%dma_start3A_210 : memref<5x128xi32, #tpu.memory_space<hbm>>) target(%arg9 : memref<5x128xi32, #tpu.memory_space<vmem>>) target_semaphore(%run_scoped3A : memref<!tpu.dma_semaphore, #tpu.memory_space<semaphore_mem>>)
      %dma_wait3A_211 = arith.constant 0 : i32
      %dma_wait3A_212 = arith.constant 0 : i32
      %dma_wait3A_213 = tpu.memref_slice %arg5[%add3A, %dma_wait3A_211, %dma_wait3A_212] : memref<32x5x128xi32, #tpu.memory_space<hbm>> -> memref<1x5x128xi32, #tpu.memory_space<hbm>>
      %dma_wait3A_214 = tpu.memref_squeeze %dma_wait3A_213 : memref<1x5x128xi32, #tpu.memory_space<hbm>> -> memref<5x128xi32, #tpu.memory_space<hbm>>
      %dma_wait3A_215 = arith.constant 0 : i32
      %dma_wait3A_216 = arith.constant 0 : i32
      %dma_wait3A_217 = tpu.memref_slice %arg5[%add3A, %dma_wait3A_215, %dma_wait3A_216] : memref<32x5x128xi32, #tpu.memory_space<hbm>> -> memref<1x5x128xi32, #tpu.memory_space<hbm>>
      %dma_wait3A_218 = tpu.memref_squeeze %dma_wait3A_217 : memref<1x5x128xi32, #tpu.memory_space<hbm>> -> memref<5x128xi32, #tpu.memory_space<hbm>>
      tpu.wait_dma2 semaphore(%run_scoped3A : memref<!tpu.dma_semaphore, #tpu.memory_space<semaphore_mem>>) src(%dma_wait3A_218 : memref<5x128xi32, #tpu.memory_space<hbm>>) dst(%arg9 : memref<5x128xi32, #tpu.memory_space<vmem>>)
      tpu.yield
    }) : () -> ()
    %dma_start3A = arith.constant 0 : i32
    %dma_start3A_1 = arith.constant 0 : i32
    %dma_start3A_2 = arith.constant 0 : i32
    %dma_start3A_3 = tpu.memref_slice %arg10[%dma_start3A_1, %dma_start3A_2] : memref<1280x64xf32, #tpu.memory_space<vmem>> -> memref<128x64xf32, #tpu.memory_space<vmem>>
    %dma_start3A_4 = arith.constant 0 : i32
    %dma_start3A_5 = tpu.memref_slice %arg8[%dma_start3A, %dma_start3A_4] : memref<5x128xi32, #tpu.memory_space<vmem>> -> memref<1x128xi32, #tpu.memory_space<vmem>>
    %dma_start3A_6 = tpu.memref_squeeze %dma_start3A_5 : memref<1x128xi32, #tpu.memory_space<vmem>> -> memref<128xi32, #tpu.memory_space<vmem>>
    %dma_start3A_7 = arith.constant 0 : i32
    %dma_start3A_8 = arith.constant 0 : i32
    %dma_start3A_9 = tpu.memref_slice %arg3[%dma_start3A_7, %dma_start3A_8] : memref<100000x64xf32, #tpu.memory_space<hbm>> -> memref<100000x64xf32, #tpu.memory_space<hbm>>
    tpu.enqueue_indirect_dma source(%dma_start3A_9 : memref<100000x64xf32, #tpu.memory_space<hbm>>) target(%dma_start3A_3 : memref<128x64xf32, #tpu.memory_space<vmem>>) offsets(%dma_start3A_6 : memref<128xi32, #tpu.memory_space<vmem>>) semaphore(%arg11 : memref<!tpu.dma_semaphore, #tpu.memory_space<semaphore_mem>>)
    %dma_start3A_10 = arith.constant 1 : i32
    %dma_start3A_11 = arith.constant 128 : i32
    %dma_start3A_12 = arith.constant 0 : i32
    %dma_start3A_13 = tpu.memref_slice %arg10[%dma_start3A_11, %dma_start3A_12] : memref<1280x64xf32, #tpu.memory_space<vmem>> -> memref<128x64xf32, #tpu.memory_space<vmem>>
    %dma_start3A_14 = arith.constant 0 : i32
    %dma_start3A_15 = tpu.memref_slice %arg8[%dma_start3A_10, %dma_start3A_14] : memref<5x128xi32, #tpu.memory_space<vmem>> -> memref<1x128xi32, #tpu.memory_space<vmem>>
    %dma_start3A_16 = tpu.memref_squeeze %dma_start3A_15 : memref<1x128xi32, #tpu.memory_space<vmem>> -> memref<128xi32, #tpu.memory_space<vmem>>
    %dma_start3A_17 = arith.constant 0 : i32
    %dma_start3A_18 = arith.constant 0 : i32
    %dma_start3A_19 = tpu.memref_slice %arg3[%dma_start3A_17, %dma_start3A_18] : memref<100000x64xf32, #tpu.memory_space<hbm>> -> memref<100000x64xf32, #tpu.memory_space<hbm>>
    tpu.enqueue_indirect_dma source(%dma_start3A_19 : memref<100000x64xf32, #tpu.memory_space<hbm>>) target(%dma_start3A_13 : memref<128x64xf32, #tpu.memory_space<vmem>>) offsets(%dma_start3A_16 : memref<128xi32, #tpu.memory_space<vmem>>) semaphore(%arg11 : memref<!tpu.dma_semaphore, #tpu.memory_space<semaphore_mem>>)
    %dma_start3A_20 = arith.constant 2 : i32
    %dma_start3A_21 = arith.constant 256 : i32
    %dma_start3A_22 = arith.constant 0 : i32
    %dma_start3A_23 = tpu.memref_slice %arg10[%dma_start3A_21, %dma_start3A_22] : memref<1280x64xf32, #tpu.memory_space<vmem>> -> memref<128x64xf32, #tpu.memory_space<vmem>>
    %dma_start3A_24 = arith.constant 0 : i32
    %dma_start3A_25 = tpu.memref_slice %arg8[%dma_start3A_20, %dma_start3A_24] : memref<5x128xi32, #tpu.memory_space<vmem>> -> memref<1x128xi32, #tpu.memory_space<vmem>>
    %dma_start3A_26 = tpu.memref_squeeze %dma_start3A_25 : memref<1x128xi32, #tpu.memory_space<vmem>> -> memref<128xi32, #tpu.memory_space<vmem>>
    %dma_start3A_27 = arith.constant 0 : i32
    %dma_start3A_28 = arith.constant 0 : i32
    %dma_start3A_29 = tpu.memref_slice %arg3[%dma_start3A_27, %dma_start3A_28] : memref<100000x64xf32, #tpu.memory_space<hbm>> -> memref<100000x64xf32, #tpu.memory_space<hbm>>
    tpu.enqueue_indirect_dma source(%dma_start3A_29 : memref<100000x64xf32, #tpu.memory_space<hbm>>) target(%dma_start3A_23 : memref<128x64xf32, #tpu.memory_space<vmem>>) offsets(%dma_start3A_26 : memref<128xi32, #tpu.memory_space<vmem>>) semaphore(%arg11 : memref<!tpu.dma_semaphore, #tpu.memory_space<semaphore_mem>>)
    %dma_start3A_30 = arith.constant 3 : i32
    %dma_start3A_31 = arith.constant 384 : i32
    %dma_start3A_32 = arith.constant 0 : i32
    %dma_start3A_33 = tpu.memref_slice %arg10[%dma_start3A_31, %dma_start3A_32] : memref<1280x64xf32, #tpu.memory_space<vmem>> -> memref<128x64xf32, #tpu.memory_space<vmem>>
    %dma_start3A_34 = arith.constant 0 : i32
    %dma_start3A_35 = tpu.memref_slice %arg8[%dma_start3A_30, %dma_start3A_34] : memref<5x128xi32, #tpu.memory_space<vmem>> -> memref<1x128xi32, #tpu.memory_space<vmem>>
    %dma_start3A_36 = tpu.memref_squeeze %dma_start3A_35 : memref<1x128xi32, #tpu.memory_space<vmem>> -> memref<128xi32, #tpu.memory_space<vmem>>
    %dma_start3A_37 = arith.constant 0 : i32
    %dma_start3A_38 = arith.constant 0 : i32
    %dma_start3A_39 = tpu.memref_slice %arg3[%dma_start3A_37, %dma_start3A_38] : memref<100000x64xf32, #tpu.memory_space<hbm>> -> memref<100000x64xf32, #tpu.memory_space<hbm>>
    tpu.enqueue_indirect_dma source(%dma_start3A_39 : memref<100000x64xf32, #tpu.memory_space<hbm>>) target(%dma_start3A_33 : memref<128x64xf32, #tpu.memory_space<vmem>>) offsets(%dma_start3A_36 : memref<128xi32, #tpu.memory_space<vmem>>) semaphore(%arg11 : memref<!tpu.dma_semaphore, #tpu.memory_space<semaphore_mem>>)
    %dma_start3A_40 = arith.constant 4 : i32
    %dma_start3A_41 = arith.constant 512 : i32
    %dma_start3A_42 = arith.constant 0 : i32
    %dma_start3A_43 = tpu.memref_slice %arg10[%dma_start3A_41, %dma_start3A_42] : memref<1280x64xf32, #tpu.memory_space<vmem>> -> memref<128x64xf32, #tpu.memory_space<vmem>>
    %dma_start3A_44 = arith.constant 0 : i32
    %dma_start3A_45 = tpu.memref_slice %arg8[%dma_start3A_40, %dma_start3A_44] : memref<5x128xi32, #tpu.memory_space<vmem>> -> memref<1x128xi32, #tpu.memory_space<vmem>>
    %dma_start3A_46 = tpu.memref_squeeze %dma_start3A_45 : memref<1x128xi32, #tpu.memory_space<vmem>> -> memref<128xi32, #tpu.memory_space<vmem>>
    %dma_start3A_47 = arith.constant 0 : i32
    %dma_start3A_48 = arith.constant 0 : i32
    %dma_start3A_49 = tpu.memref_slice %arg3[%dma_start3A_47, %dma_start3A_48] : memref<100000x64xf32, #tpu.memory_space<hbm>> -> memref<100000x64xf32, #tpu.memory_space<hbm>>
    tpu.enqueue_indirect_dma source(%dma_start3A_49 : memref<100000x64xf32, #tpu.memory_space<hbm>>) target(%dma_start3A_43 : memref<128x64xf32, #tpu.memory_space<vmem>>) offsets(%dma_start3A_46 : memref<128xi32, #tpu.memory_space<vmem>>) semaphore(%arg11 : memref<!tpu.dma_semaphore, #tpu.memory_space<semaphore_mem>>)
    %dma_start3A_50 = arith.constant 0 : i32
    %dma_start3A_51 = arith.constant 640 : i32
    %dma_start3A_52 = arith.constant 0 : i32
    %dma_start3A_53 = tpu.memref_slice %arg10[%dma_start3A_51, %dma_start3A_52] : memref<1280x64xf32, #tpu.memory_space<vmem>> -> memref<128x64xf32, #tpu.memory_space<vmem>>
    %dma_start3A_54 = arith.constant 0 : i32
    %dma_start3A_55 = tpu.memref_slice %arg9[%dma_start3A_50, %dma_start3A_54] : memref<5x128xi32, #tpu.memory_space<vmem>> -> memref<1x128xi32, #tpu.memory_space<vmem>>
    %dma_start3A_56 = tpu.memref_squeeze %dma_start3A_55 : memref<1x128xi32, #tpu.memory_space<vmem>> -> memref<128xi32, #tpu.memory_space<vmem>>
    %dma_start3A_57 = arith.constant 0 : i32
    %dma_start3A_58 = arith.constant 0 : i32
    %dma_start3A_59 = tpu.memref_slice %arg2[%dma_start3A_57, %dma_start3A_58] : memref<100000x64xf32, #tpu.memory_space<hbm>> -> memref<100000x64xf32, #tpu.memory_space<hbm>>
    tpu.enqueue_indirect_dma source(%dma_start3A_59 : memref<100000x64xf32, #tpu.memory_space<hbm>>) target(%dma_start3A_53 : memref<128x64xf32, #tpu.memory_space<vmem>>) offsets(%dma_start3A_56 : memref<128xi32, #tpu.memory_space<vmem>>) semaphore(%arg11 : memref<!tpu.dma_semaphore, #tpu.memory_space<semaphore_mem>>)
    %dma_start3A_60 = arith.constant 1 : i32
    %dma_start3A_61 = arith.constant 768 : i32
    %dma_start3A_62 = arith.constant 0 : i32
    %dma_start3A_63 = tpu.memref_slice %arg10[%dma_start3A_61, %dma_start3A_62] : memref<1280x64xf32, #tpu.memory_space<vmem>> -> memref<128x64xf32, #tpu.memory_space<vmem>>
    %dma_start3A_64 = arith.constant 0 : i32
    %dma_start3A_65 = tpu.memref_slice %arg9[%dma_start3A_60, %dma_start3A_64] : memref<5x128xi32, #tpu.memory_space<vmem>> -> memref<1x128xi32, #tpu.memory_space<vmem>>
    %dma_start3A_66 = tpu.memref_squeeze %dma_start3A_65 : memref<1x128xi32, #tpu.memory_space<vmem>> -> memref<128xi32, #tpu.memory_space<vmem>>
    %dma_start3A_67 = arith.constant 0 : i32
    %dma_start3A_68 = arith.constant 0 : i32
    %dma_start3A_69 = tpu.memref_slice %arg2[%dma_start3A_67, %dma_start3A_68] : memref<100000x64xf32, #tpu.memory_space<hbm>> -> memref<100000x64xf32, #tpu.memory_space<hbm>>
    tpu.enqueue_indirect_dma source(%dma_start3A_69 : memref<100000x64xf32, #tpu.memory_space<hbm>>) target(%dma_start3A_63 : memref<128x64xf32, #tpu.memory_space<vmem>>) offsets(%dma_start3A_66 : memref<128xi32, #tpu.memory_space<vmem>>) semaphore(%arg11 : memref<!tpu.dma_semaphore, #tpu.memory_space<semaphore_mem>>)
    %dma_start3A_70 = arith.constant 2 : i32
    %dma_start3A_71 = arith.constant 896 : i32
    %dma_start3A_72 = arith.constant 0 : i32
    %dma_start3A_73 = tpu.memref_slice %arg10[%dma_start3A_71, %dma_start3A_72] : memref<1280x64xf32, #tpu.memory_space<vmem>> -> memref<128x64xf32, #tpu.memory_space<vmem>>
    %dma_start3A_74 = arith.constant 0 : i32
    %dma_start3A_75 = tpu.memref_slice %arg9[%dma_start3A_70, %dma_start3A_74] : memref<5x128xi32, #tpu.memory_space<vmem>> -> memref<1x128xi32, #tpu.memory_space<vmem>>
    %dma_start3A_76 = tpu.memref_squeeze %dma_start3A_75 : memref<1x128xi32, #tpu.memory_space<vmem>> -> memref<128xi32, #tpu.memory_space<vmem>>
    %dma_start3A_77 = arith.constant 0 : i32
    %dma_start3A_78 = arith.constant 0 : i32
    %dma_start3A_79 = tpu.memref_slice %arg2[%dma_start3A_77, %dma_start3A_78] : memref<100000x64xf32, #tpu.memory_space<hbm>> -> memref<100000x64xf32, #tpu.memory_space<hbm>>
    tpu.enqueue_indirect_dma source(%dma_start3A_79 : memref<100000x64xf32, #tpu.memory_space<hbm>>) target(%dma_start3A_73 : memref<128x64xf32, #tpu.memory_space<vmem>>) offsets(%dma_start3A_76 : memref<128xi32, #tpu.memory_space<vmem>>) semaphore(%arg11 : memref<!tpu.dma_semaphore, #tpu.memory_space<semaphore_mem>>)
    %dma_start3A_80 = arith.constant 3 : i32
    %dma_start3A_81 = arith.constant 1024 : i32
    %dma_start3A_82 = arith.constant 0 : i32
    %dma_start3A_83 = tpu.memref_slice %arg10[%dma_start3A_81, %dma_start3A_82] : memref<1280x64xf32, #tpu.memory_space<vmem>> -> memref<128x64xf32, #tpu.memory_space<vmem>>
    %dma_start3A_84 = arith.constant 0 : i32
    %dma_start3A_85 = tpu.memref_slice %arg9[%dma_start3A_80, %dma_start3A_84] : memref<5x128xi32, #tpu.memory_space<vmem>> -> memref<1x128xi32, #tpu.memory_space<vmem>>
    %dma_start3A_86 = tpu.memref_squeeze %dma_start3A_85 : memref<1x128xi32, #tpu.memory_space<vmem>> -> memref<128xi32, #tpu.memory_space<vmem>>
    %dma_start3A_87 = arith.constant 0 : i32
    %dma_start3A_88 = arith.constant 0 : i32
    %dma_start3A_89 = tpu.memref_slice %arg2[%dma_start3A_87, %dma_start3A_88] : memref<100000x64xf32, #tpu.memory_space<hbm>> -> memref<100000x64xf32, #tpu.memory_space<hbm>>
    tpu.enqueue_indirect_dma source(%dma_start3A_89 : memref<100000x64xf32, #tpu.memory_space<hbm>>) target(%dma_start3A_83 : memref<128x64xf32, #tpu.memory_space<vmem>>) offsets(%dma_start3A_86 : memref<128xi32, #tpu.memory_space<vmem>>) semaphore(%arg11 : memref<!tpu.dma_semaphore, #tpu.memory_space<semaphore_mem>>)
    %dma_start3A_90 = arith.constant 4 : i32
    %dma_start3A_91 = arith.constant 1152 : i32
    %dma_start3A_92 = arith.constant 0 : i32
    %dma_start3A_93 = tpu.memref_slice %arg10[%dma_start3A_91, %dma_start3A_92] : memref<1280x64xf32, #tpu.memory_space<vmem>> -> memref<128x64xf32, #tpu.memory_space<vmem>>
    %dma_start3A_94 = arith.constant 0 : i32
    %dma_start3A_95 = tpu.memref_slice %arg9[%dma_start3A_90, %dma_start3A_94] : memref<5x128xi32, #tpu.memory_space<vmem>> -> memref<1x128xi32, #tpu.memory_space<vmem>>
    %dma_start3A_96 = tpu.memref_squeeze %dma_start3A_95 : memref<1x128xi32, #tpu.memory_space<vmem>> -> memref<128xi32, #tpu.memory_space<vmem>>
    %dma_start3A_97 = arith.constant 0 : i32
    %dma_start3A_98 = arith.constant 0 : i32
    %dma_start3A_99 = tpu.memref_slice %arg2[%dma_start3A_97, %dma_start3A_98] : memref<100000x64xf32, #tpu.memory_space<hbm>> -> memref<100000x64xf32, #tpu.memory_space<hbm>>
    tpu.enqueue_indirect_dma source(%dma_start3A_99 : memref<100000x64xf32, #tpu.memory_space<hbm>>) target(%dma_start3A_93 : memref<128x64xf32, #tpu.memory_space<vmem>>) offsets(%dma_start3A_96 : memref<128xi32, #tpu.memory_space<vmem>>) semaphore(%arg11 : memref<!tpu.dma_semaphore, #tpu.memory_space<semaphore_mem>>)
    %dma_wait3A = arith.constant 0 : i32
    %dma_wait3A_100 = arith.constant 0 : i32
    %dma_wait3A_101 = arith.constant 0 : i32
    %dma_wait3A_102 = tpu.memref_slice %arg10[%dma_wait3A_100, %dma_wait3A_101] : memref<1280x64xf32, #tpu.memory_space<vmem>> -> memref<128x64xf32, #tpu.memory_space<vmem>>
    %dma_wait3A_103 = arith.constant 0 : i32
    %dma_wait3A_104 = tpu.memref_slice %arg8[%dma_wait3A, %dma_wait3A_103] : memref<5x128xi32, #tpu.memory_space<vmem>> -> memref<1x128xi32, #tpu.memory_space<vmem>>
    %dma_wait3A_105 = tpu.memref_squeeze %dma_wait3A_104 : memref<1x128xi32, #tpu.memory_space<vmem>> -> memref<128xi32, #tpu.memory_space<vmem>>
    %dma_wait3A_106 = arith.constant 0 : i32
    %dma_wait3A_107 = arith.constant 0 : i32
    %dma_wait3A_108 = tpu.memref_slice %arg3[%dma_wait3A_106, %dma_wait3A_107] : memref<100000x64xf32, #tpu.memory_space<hbm>> -> memref<100000x64xf32, #tpu.memory_space<hbm>>
    tpu.wait_indirect_dma semaphore(%arg11 : memref<!tpu.dma_semaphore, #tpu.memory_space<semaphore_mem>>) src(%dma_wait3A_108 : memref<100000x64xf32, #tpu.memory_space<hbm>>) dst(%dma_wait3A_102 : memref<128x64xf32, #tpu.memory_space<vmem>>)
    %dma_wait3A_109 = arith.constant 1 : i32
    %dma_wait3A_110 = arith.constant 128 : i32
    %dma_wait3A_111 = arith.constant 0 : i32
    %dma_wait3A_112 = tpu.memref_slice %arg10[%dma_wait3A_110, %dma_wait3A_111] : memref<1280x64xf32, #tpu.memory_space<vmem>> -> memref<128x64xf32, #tpu.memory_space<vmem>>
    %dma_wait3A_113 = arith.constant 0 : i32
    %dma_wait3A_114 = tpu.memref_slice %arg8[%dma_wait3A_109, %dma_wait3A_113] : memref<5x128xi32, #tpu.memory_space<vmem>> -> memref<1x128xi32, #tpu.memory_space<vmem>>
    %dma_wait3A_115 = tpu.memref_squeeze %dma_wait3A_114 : memref<1x128xi32, #tpu.memory_space<vmem>> -> memref<128xi32, #tpu.memory_space<vmem>>
    %dma_wait3A_116 = arith.constant 0 : i32
    %dma_wait3A_117 = arith.constant 0 : i32
    %dma_wait3A_118 = tpu.memref_slice %arg3[%dma_wait3A_116, %dma_wait3A_117] : memref<100000x64xf32, #tpu.memory_space<hbm>> -> memref<100000x64xf32, #tpu.memory_space<hbm>>
    tpu.wait_indirect_dma semaphore(%arg11 : memref<!tpu.dma_semaphore, #tpu.memory_space<semaphore_mem>>) src(%dma_wait3A_118 : memref<100000x64xf32, #tpu.memory_space<hbm>>) dst(%dma_wait3A_112 : memref<128x64xf32, #tpu.memory_space<vmem>>)
    %dma_wait3A_119 = arith.constant 2 : i32
    %dma_wait3A_120 = arith.constant 256 : i32
    %dma_wait3A_121 = arith.constant 0 : i32
    %dma_wait3A_122 = tpu.memref_slice %arg10[%dma_wait3A_120, %dma_wait3A_121] : memref<1280x64xf32, #tpu.memory_space<vmem>> -> memref<128x64xf32, #tpu.memory_space<vmem>>
    %dma_wait3A_123 = arith.constant 0 : i32
    %dma_wait3A_124 = tpu.memref_slice %arg8[%dma_wait3A_119, %dma_wait3A_123] : memref<5x128xi32, #tpu.memory_space<vmem>> -> memref<1x128xi32, #tpu.memory_space<vmem>>
    %dma_wait3A_125 = tpu.memref_squeeze %dma_wait3A_124 : memref<1x128xi32, #tpu.memory_space<vmem>> -> memref<128xi32, #tpu.memory_space<vmem>>
    %dma_wait3A_126 = arith.constant 0 : i32
    %dma_wait3A_127 = arith.constant 0 : i32
    %dma_wait3A_128 = tpu.memref_slice %arg3[%dma_wait3A_126, %dma_wait3A_127] : memref<100000x64xf32, #tpu.memory_space<hbm>> -> memref<100000x64xf32, #tpu.memory_space<hbm>>
    tpu.wait_indirect_dma semaphore(%arg11 : memref<!tpu.dma_semaphore, #tpu.memory_space<semaphore_mem>>) src(%dma_wait3A_128 : memref<100000x64xf32, #tpu.memory_space<hbm>>) dst(%dma_wait3A_122 : memref<128x64xf32, #tpu.memory_space<vmem>>)
    %dma_wait3A_129 = arith.constant 3 : i32
    %dma_wait3A_130 = arith.constant 384 : i32
    %dma_wait3A_131 = arith.constant 0 : i32
    %dma_wait3A_132 = tpu.memref_slice %arg10[%dma_wait3A_130, %dma_wait3A_131] : memref<1280x64xf32, #tpu.memory_space<vmem>> -> memref<128x64xf32, #tpu.memory_space<vmem>>
    %dma_wait3A_133 = arith.constant 0 : i32
    %dma_wait3A_134 = tpu.memref_slice %arg8[%dma_wait3A_129, %dma_wait3A_133] : memref<5x128xi32, #tpu.memory_space<vmem>> -> memref<1x128xi32, #tpu.memory_space<vmem>>
    %dma_wait3A_135 = tpu.memref_squeeze %dma_wait3A_134 : memref<1x128xi32, #tpu.memory_space<vmem>> -> memref<128xi32, #tpu.memory_space<vmem>>
    %dma_wait3A_136 = arith.constant 0 : i32
    %dma_wait3A_137 = arith.constant 0 : i32
    %dma_wait3A_138 = tpu.memref_slice %arg3[%dma_wait3A_136, %dma_wait3A_137] : memref<100000x64xf32, #tpu.memory_space<hbm>> -> memref<100000x64xf32, #tpu.memory_space<hbm>>
    tpu.wait_indirect_dma semaphore(%arg11 : memref<!tpu.dma_semaphore, #tpu.memory_space<semaphore_mem>>) src(%dma_wait3A_138 : memref<100000x64xf32, #tpu.memory_space<hbm>>) dst(%dma_wait3A_132 : memref<128x64xf32, #tpu.memory_space<vmem>>)
    %dma_wait3A_139 = arith.constant 4 : i32
    %dma_wait3A_140 = arith.constant 512 : i32
    %dma_wait3A_141 = arith.constant 0 : i32
    %dma_wait3A_142 = tpu.memref_slice %arg10[%dma_wait3A_140, %dma_wait3A_141] : memref<1280x64xf32, #tpu.memory_space<vmem>> -> memref<128x64xf32, #tpu.memory_space<vmem>>
    %dma_wait3A_143 = arith.constant 0 : i32
    %dma_wait3A_144 = tpu.memref_slice %arg8[%dma_wait3A_139, %dma_wait3A_143] : memref<5x128xi32, #tpu.memory_space<vmem>> -> memref<1x128xi32, #tpu.memory_space<vmem>>
    %dma_wait3A_145 = tpu.memref_squeeze %dma_wait3A_144 : memref<1x128xi32, #tpu.memory_space<vmem>> -> memref<128xi32, #tpu.memory_space<vmem>>
    %dma_wait3A_146 = arith.constant 0 : i32
    %dma_wait3A_147 = arith.constant 0 : i32
    %dma_wait3A_148 = tpu.memref_slice %arg3[%dma_wait3A_146, %dma_wait3A_147] : memref<100000x64xf32, #tpu.memory_space<hbm>> -> memref<100000x64xf32, #tpu.memory_space<hbm>>
    tpu.wait_indirect_dma semaphore(%arg11 : memref<!tpu.dma_semaphore, #tpu.memory_space<semaphore_mem>>) src(%dma_wait3A_148 : memref<100000x64xf32, #tpu.memory_space<hbm>>) dst(%dma_wait3A_142 : memref<128x64xf32, #tpu.memory_space<vmem>>)
    %dma_wait3A_149 = arith.constant 0 : i32
    %dma_wait3A_150 = arith.constant 640 : i32
    %dma_wait3A_151 = arith.constant 0 : i32
    %dma_wait3A_152 = tpu.memref_slice %arg10[%dma_wait3A_150, %dma_wait3A_151] : memref<1280x64xf32, #tpu.memory_space<vmem>> -> memref<128x64xf32, #tpu.memory_space<vmem>>
    %dma_wait3A_153 = arith.constant 0 : i32
    %dma_wait3A_154 = tpu.memref_slice %arg9[%dma_wait3A_149, %dma_wait3A_153] : memref<5x128xi32, #tpu.memory_space<vmem>> -> memref<1x128xi32, #tpu.memory_space<vmem>>
    %dma_wait3A_155 = tpu.memref_squeeze %dma_wait3A_154 : memref<1x128xi32, #tpu.memory_space<vmem>> -> memref<128xi32, #tpu.memory_space<vmem>>
    %dma_wait3A_156 = arith.constant 0 : i32
    %dma_wait3A_157 = arith.constant 0 : i32
    %dma_wait3A_158 = tpu.memref_slice %arg2[%dma_wait3A_156, %dma_wait3A_157] : memref<100000x64xf32, #tpu.memory_space<hbm>> -> memref<100000x64xf32, #tpu.memory_space<hbm>>
    tpu.wait_indirect_dma semaphore(%arg11 : memref<!tpu.dma_semaphore, #tpu.memory_space<semaphore_mem>>) src(%dma_wait3A_158 : memref<100000x64xf32, #tpu.memory_space<hbm>>) dst(%dma_wait3A_152 : memref<128x64xf32, #tpu.memory_space<vmem>>)
    %dma_wait3A_159 = arith.constant 1 : i32
    %dma_wait3A_160 = arith.constant 768 : i32
    %dma_wait3A_161 = arith.constant 0 : i32
    %dma_wait3A_162 = tpu.memref_slice %arg10[%dma_wait3A_160, %dma_wait3A_161] : memref<1280x64xf32, #tpu.memory_space<vmem>> -> memref<128x64xf32, #tpu.memory_space<vmem>>
    %dma_wait3A_163 = arith.constant 0 : i32
    %dma_wait3A_164 = tpu.memref_slice %arg9[%dma_wait3A_159, %dma_wait3A_163] : memref<5x128xi32, #tpu.memory_space<vmem>> -> memref<1x128xi32, #tpu.memory_space<vmem>>
    %dma_wait3A_165 = tpu.memref_squeeze %dma_wait3A_164 : memref<1x128xi32, #tpu.memory_space<vmem>> -> memref<128xi32, #tpu.memory_space<vmem>>
    %dma_wait3A_166 = arith.constant 0 : i32
    %dma_wait3A_167 = arith.constant 0 : i32
    %dma_wait3A_168 = tpu.memref_slice %arg2[%dma_wait3A_166, %dma_wait3A_167] : memref<100000x64xf32, #tpu.memory_space<hbm>> -> memref<100000x64xf32, #tpu.memory_space<hbm>>
    tpu.wait_indirect_dma semaphore(%arg11 : memref<!tpu.dma_semaphore, #tpu.memory_space<semaphore_mem>>) src(%dma_wait3A_168 : memref<100000x64xf32, #tpu.memory_space<hbm>>) dst(%dma_wait3A_162 : memref<128x64xf32, #tpu.memory_space<vmem>>)
    %dma_wait3A_169 = arith.constant 2 : i32
    %dma_wait3A_170 = arith.constant 896 : i32
    %dma_wait3A_171 = arith.constant 0 : i32
    %dma_wait3A_172 = tpu.memref_slice %arg10[%dma_wait3A_170, %dma_wait3A_171] : memref<1280x64xf32, #tpu.memory_space<vmem>> -> memref<128x64xf32, #tpu.memory_space<vmem>>
    %dma_wait3A_173 = arith.constant 0 : i32
    %dma_wait3A_174 = tpu.memref_slice %arg9[%dma_wait3A_169, %dma_wait3A_173] : memref<5x128xi32, #tpu.memory_space<vmem>> -> memref<1x128xi32, #tpu.memory_space<vmem>>
    %dma_wait3A_175 = tpu.memref_squeeze %dma_wait3A_174 : memref<1x128xi32, #tpu.memory_space<vmem>> -> memref<128xi32, #tpu.memory_space<vmem>>
    %dma_wait3A_176 = arith.constant 0 : i32
    %dma_wait3A_177 = arith.constant 0 : i32
    %dma_wait3A_178 = tpu.memref_slice %arg2[%dma_wait3A_176, %dma_wait3A_177] : memref<100000x64xf32, #tpu.memory_space<hbm>> -> memref<100000x64xf32, #tpu.memory_space<hbm>>
    tpu.wait_indirect_dma semaphore(%arg11 : memref<!tpu.dma_semaphore, #tpu.memory_space<semaphore_mem>>) src(%dma_wait3A_178 : memref<100000x64xf32, #tpu.memory_space<hbm>>) dst(%dma_wait3A_172 : memref<128x64xf32, #tpu.memory_space<vmem>>)
    %dma_wait3A_179 = arith.constant 3 : i32
    %dma_wait3A_180 = arith.constant 1024 : i32
    %dma_wait3A_181 = arith.constant 0 : i32
    %dma_wait3A_182 = tpu.memref_slice %arg10[%dma_wait3A_180, %dma_wait3A_181] : memref<1280x64xf32, #tpu.memory_space<vmem>> -> memref<128x64xf32, #tpu.memory_space<vmem>>
    %dma_wait3A_183 = arith.constant 0 : i32
    %dma_wait3A_184 = tpu.memref_slice %arg9[%dma_wait3A_179, %dma_wait3A_183] : memref<5x128xi32, #tpu.memory_space<vmem>> -> memref<1x128xi32, #tpu.memory_space<vmem>>
    %dma_wait3A_185 = tpu.memref_squeeze %dma_wait3A_184 : memref<1x128xi32, #tpu.memory_space<vmem>> -> memref<128xi32, #tpu.memory_space<vmem>>
    %dma_wait3A_186 = arith.constant 0 : i32
    %dma_wait3A_187 = arith.constant 0 : i32
    %dma_wait3A_188 = tpu.memref_slice %arg2[%dma_wait3A_186, %dma_wait3A_187] : memref<100000x64xf32, #tpu.memory_space<hbm>> -> memref<100000x64xf32, #tpu.memory_space<hbm>>
    tpu.wait_indirect_dma semaphore(%arg11 : memref<!tpu.dma_semaphore, #tpu.memory_space<semaphore_mem>>) src(%dma_wait3A_188 : memref<100000x64xf32, #tpu.memory_space<hbm>>) dst(%dma_wait3A_182 : memref<128x64xf32, #tpu.memory_space<vmem>>)
    %dma_wait3A_189 = arith.constant 4 : i32
    %dma_wait3A_190 = arith.constant 1152 : i32
    %dma_wait3A_191 = arith.constant 0 : i32
    %dma_wait3A_192 = tpu.memref_slice %arg10[%dma_wait3A_190, %dma_wait3A_191] : memref<1280x64xf32, #tpu.memory_space<vmem>> -> memref<128x64xf32, #tpu.memory_space<vmem>>
    %dma_wait3A_193 = arith.constant 0 : i32
    %dma_wait3A_194 = tpu.memref_slice %arg9[%dma_wait3A_189, %dma_wait3A_193] : memref<5x128xi32, #tpu.memory_space<vmem>> -> memref<1x128xi32, #tpu.memory_space<vmem>>
    %dma_wait3A_195 = tpu.memref_squeeze %dma_wait3A_194 : memref<1x128xi32, #tpu.memory_space<vmem>> -> memref<128xi32, #tpu.memory_space<vmem>>
    %dma_wait3A_196 = arith.constant 0 : i32
    %dma_wait3A_197 = arith.constant 0 : i32
    %dma_wait3A_198 = tpu.memref_slice %arg2[%dma_wait3A_196, %dma_wait3A_197] : memref<100000x64xf32, #tpu.memory_space<hbm>> -> memref<100000x64xf32, #tpu.memory_space<hbm>>
    tpu.wait_indirect_dma semaphore(%arg11 : memref<!tpu.dma_semaphore, #tpu.memory_space<semaphore_mem>>) src(%dma_wait3A_198 : memref<100000x64xf32, #tpu.memory_space<hbm>>) dst(%dma_wait3A_192 : memref<128x64xf32, #tpu.memory_space<vmem>>)
    %mul3A_199 = arith.constant 640 : i32
    %mul3A_200 = arith.muli %add3A, %mul3A_199 : i32
    "tpu.region"() ({
      %run_scoped3A = tpu.sem_alloc : memref<!tpu.dma_semaphore, #tpu.memory_space<semaphore_mem>>
      %dma_start3A_203 = arith.constant 0 : i32
      %dma_start3A_204 = arith.constant 0 : i32
      %dma_start3A_205 = tpu.memref_slice %arg10[%dma_start3A_203, %dma_start3A_204] : memref<1280x64xf32, #tpu.memory_space<vmem>> -> memref<640x64xf32, #tpu.memory_space<vmem>>
      %dma_start3A_206 = arith.constant 0 : i32
      %dma_start3A_207 = tpu.memref_slice %arg6[%mul3A_200, %dma_start3A_206] : memref<20480x128xf32, #tpu.memory_space<hbm>> -> memref<640x64xf32, #tpu.memory_space<hbm>>
      %dma_start3A_208 = arith.constant 0 : i32
      %dma_start3A_209 = tpu.memref_slice %arg6[%mul3A_200, %dma_start3A_208] : memref<20480x128xf32, #tpu.memory_space<hbm>> -> memref<640x64xf32, #tpu.memory_space<hbm>>
      %dma_start3A_210 = arith.constant 0 : i32
      %dma_start3A_211 = arith.constant 0 : i32
      %dma_start3A_212 = tpu.memref_slice %arg10[%dma_start3A_210, %dma_start3A_211] : memref<1280x64xf32, #tpu.memory_space<vmem>> -> memref<640x64xf32, #tpu.memory_space<vmem>>
      tpu.enqueue_dma source(%dma_start3A_212 : memref<640x64xf32, #tpu.memory_space<vmem>>) target(%dma_start3A_209 : memref<640x64xf32, #tpu.memory_space<hbm>>) target_semaphore(%run_scoped3A : memref<!tpu.dma_semaphore, #tpu.memory_space<semaphore_mem>>)
      %dma_wait3A_213 = arith.constant 0 : i32
      %dma_wait3A_214 = arith.constant 0 : i32
      %dma_wait3A_215 = tpu.memref_slice %arg10[%dma_wait3A_213, %dma_wait3A_214] : memref<1280x64xf32, #tpu.memory_space<vmem>> -> memref<640x64xf32, #tpu.memory_space<vmem>>
      %dma_wait3A_216 = arith.constant 0 : i32
      %dma_wait3A_217 = tpu.memref_slice %arg6[%mul3A_200, %dma_wait3A_216] : memref<20480x128xf32, #tpu.memory_space<hbm>> -> memref<640x64xf32, #tpu.memory_space<hbm>>
      %dma_wait3A_218 = arith.constant 0 : i32
      %dma_wait3A_219 = tpu.memref_slice %arg6[%mul3A_200, %dma_wait3A_218] : memref<20480x128xf32, #tpu.memory_space<hbm>> -> memref<640x64xf32, #tpu.memory_space<hbm>>
      %dma_wait3A_220 = arith.constant 0 : i32
      %dma_wait3A_221 = arith.constant 0 : i32
      %dma_wait3A_222 = tpu.memref_slice %arg10[%dma_wait3A_220, %dma_wait3A_221] : memref<1280x64xf32, #tpu.memory_space<vmem>> -> memref<640x64xf32, #tpu.memory_space<vmem>>
      tpu.wait_dma2 semaphore(%run_scoped3A : memref<!tpu.dma_semaphore, #tpu.memory_space<semaphore_mem>>) src(%dma_wait3A_222 : memref<640x64xf32, #tpu.memory_space<vmem>>) dst(%dma_wait3A_219 : memref<640x64xf32, #tpu.memory_space<hbm>>)
      tpu.yield
    }) : () -> ()
    %mul3A_201 = arith.constant 640 : i32
    %mul3A_202 = arith.muli %add3A, %mul3A_201 : i32
    "tpu.region"() ({
      %run_scoped3A = tpu.sem_alloc : memref<!tpu.dma_semaphore, #tpu.memory_space<semaphore_mem>>
      %dma_start3A_203 = arith.constant 640 : i32
      %dma_start3A_204 = arith.constant 0 : i32
      %dma_start3A_205 = tpu.memref_slice %arg10[%dma_start3A_203, %dma_start3A_204] : memref<1280x64xf32, #tpu.memory_space<vmem>> -> memref<640x64xf32, #tpu.memory_space<vmem>>
      %dma_start3A_206 = arith.constant 0 : i32
      %dma_start3A_207 = tpu.memref_slice %arg7[%mul3A_202, %dma_start3A_206] : memref<20480x128xf32, #tpu.memory_space<hbm>> -> memref<640x64xf32, #tpu.memory_space<hbm>>
      %dma_start3A_208 = arith.constant 0 : i32
      %dma_start3A_209 = tpu.memref_slice %arg7[%mul3A_202, %dma_start3A_208] : memref<20480x128xf32, #tpu.memory_space<hbm>> -> memref<640x64xf32, #tpu.memory_space<hbm>>
      %dma_start3A_210 = arith.constant 640 : i32
      %dma_start3A_211 = arith.constant 0 : i32
      %dma_start3A_212 = tpu.memref_slice %arg10[%dma_start3A_210, %dma_start3A_211] : memref<1280x64xf32, #tpu.memory_space<vmem>> -> memref<640x64xf32, #tpu.memory_space<vmem>>
      tpu.enqueue_dma source(%dma_start3A_212 : memref<640x64xf32, #tpu.memory_space<vmem>>) target(%dma_start3A_209 : memref<640x64xf32, #tpu.memory_space<hbm>>) target_semaphore(%run_scoped3A : memref<!tpu.dma_semaphore, #tpu.memory_space<semaphore_mem>>)
      %dma_wait3A_213 = arith.constant 640 : i32
      %dma_wait3A_214 = arith.constant 0 : i32
      %dma_wait3A_215 = tpu.memref_slice %arg10[%dma_wait3A_213, %dma_wait3A_214] : memref<1280x64xf32, #tpu.memory_space<vmem>> -> memref<640x64xf32, #tpu.memory_space<vmem>>
      %dma_wait3A_216 = arith.constant 0 : i32
      %dma_wait3A_217 = tpu.memref_slice %arg7[%mul3A_202, %dma_wait3A_216] : memref<20480x128xf32, #tpu.memory_space<hbm>> -> memref<640x64xf32, #tpu.memory_space<hbm>>
      %dma_wait3A_218 = arith.constant 0 : i32
      %dma_wait3A_219 = tpu.memref_slice %arg7[%mul3A_202, %dma_wait3A_218] : memref<20480x128xf32, #tpu.memory_space<hbm>> -> memref<640x64xf32, #tpu.memory_space<hbm>>
      %dma_wait3A_220 = arith.constant 640 : i32
      %dma_wait3A_221 = arith.constant 0 : i32
      %dma_wait3A_222 = tpu.memref_slice %arg10[%dma_wait3A_220, %dma_wait3A_221] : memref<1280x64xf32, #tpu.memory_space<vmem>> -> memref<640x64xf32, #tpu.memory_space<vmem>>
      tpu.wait_dma2 semaphore(%run_scoped3A : memref<!tpu.dma_semaphore, #tpu.memory_space<semaphore_mem>>) src(%dma_wait3A_222 : memref<640x64xf32, #tpu.memory_space<vmem>>) dst(%dma_wait3A_219 : memref<640x64xf32, #tpu.memory_space<hbm>>)
      tpu.yield
    }) : () -> ()
    return
  }
}

module attributes {stable_mosaic.version = 14 : i64} {
  func.func @_tc_diff_body(%arg0: i32, %arg1: memref<2x64x1024xf32, #tpu.memory_space<vmem>>, %arg2: memref<2x64x1024xf32, #tpu.memory_space<vmem>>, %arg3: memref<2048x128xf32, #tpu.memory_space<vmem>>, %arg4: memref<2048x128xf32, #tpu.memory_space<vmem>>, %arg5: memref<64x128xf32, #tpu.memory_space<vmem>>, %arg6: memref<64x1xf32, #tpu.memory_space<vmem>>, %arg7: memref<64x64xf32, #tpu.memory_space<vmem>>, %arg8: memref<64x1xf32, #tpu.memory_space<vmem>>, %arg9: memref<64x1024xf32, #tpu.memory_space<vmem>>, %arg10: memref<64x1024xf32, #tpu.memory_space<vmem>>, %arg11: memref<64x1024xf32, #tpu.memory_space<vmem>>, %arg12: memref<64x1024xf32, #tpu.memory_space<vmem>>) attributes {dimension_semantics = [#tpu.dimension_semantics<arbitrary>], iteration_bounds = array<i64: 10>, scalar_prefetch = 0 : i64, scratch_operands = 2 : i64, tpu.core_type = #tpu.core_type<tc>, window_params = [{transform_indices = @transform_0, window_bounds = array<i64: 2, 64, 1024>}, {transform_indices = @transform_1, window_bounds = array<i64: 2, 64, 1024>}, {transform_indices = @transform_2, window_bounds = array<i64: 2048, 128>}, {transform_indices = @transform_3, window_bounds = array<i64: 2048, 128>}, {pipeline_mode = #tpu.pipeline_mode<synchronous>, transform_indices = @transform_4, window_bounds = array<i64: 64, 128>}, {pipeline_mode = #tpu.pipeline_mode<synchronous>, transform_indices = @transform_5, window_bounds = array<i64: 64, 1>}, {pipeline_mode = #tpu.pipeline_mode<synchronous>, transform_indices = @transform_6, window_bounds = array<i64: 64, 64>}, {pipeline_mode = #tpu.pipeline_mode<synchronous>, transform_indices = @transform_7, window_bounds = array<i64: 64, 1>}, {pipeline_mode = #tpu.pipeline_mode<synchronous>, transform_indices = @transform_8, window_bounds = array<i64: 64, 1024>}, {pipeline_mode = #tpu.pipeline_mode<synchronous>, transform_indices = @transform_9, window_bounds = array<i64: 64, 1024>}]} {
    %get3A = arith.constant 0 : index
    %get3A_0 = arith.constant 0 : index
    %get3A_1 = vector.load %arg5[%get3A, %get3A_0] : memref<64x128xf32, #tpu.memory_space<vmem>>, vector<64x64xf32>
    %get3A_2 = arith.constant 0 : index
    %get3A_3 = arith.constant 64 : index
    %get3A_4 = vector.load %arg5[%get3A_2, %get3A_3] : memref<64x128xf32, #tpu.memory_space<vmem>>, vector<64x64xf32>
    %get3A_5 = arith.constant 0 : index
    %get3A_6 = arith.constant 0 : index
    %get3A_7 = vector.load %arg6[%get3A_5, %get3A_6] : memref<64x1xf32, #tpu.memory_space<vmem>>, vector<64x1xf32>
    %get3A_8 = arith.constant 0 : index
    %get3A_9 = arith.constant 0 : index
    %get3A_10 = vector.load %arg7[%get3A_8, %get3A_9] : memref<64x64xf32, #tpu.memory_space<vmem>>, vector<64x64xf32>
    %get3A_11 = arith.constant 0 : index
    %get3A_12 = arith.constant 0 : index
    %get3A_13 = vector.load %arg8[%get3A_11, %get3A_12] : memref<64x1xf32, #tpu.memory_space<vmem>>, vector<64x1xf32>
    %get3A_14 = arith.constant 0 : index
    %get3A_15 = arith.constant 0 : index
    %get3A_16 = arith.constant 0 : index
    %get3A_17 = vector.load %arg1[%get3A_14, %get3A_15, %get3A_16] : memref<2x64x1024xf32, #tpu.memory_space<vmem>>, vector<1x64x1024xf32>
    %get3A_18 = vector.shape_cast %get3A_17 : vector<1x64x1024xf32> to vector<64x1024xf32>
    %get3A_19 = arith.constant 0 : index
    %get3A_20 = arith.constant 0 : index
    %get3A_21 = vector.load %arg3[%get3A_19, %get3A_20] : memref<2048x128xf32, #tpu.memory_space<vmem>>, vector<1024x64xf32>
    %dot_general3A = arith.constant dense<0.000000e+00> : vector<64x1024xf32>
    %dot_general3A_22 = tpu.matmul %get3A_1, %get3A_18, %dot_general3A {dimension_numbers = #tpu.dot_dimension_numbers<[1], [0], [0], [1], [0, 0, 1, 1], [], []>, transpose_lhs_hint = false} : vector<64x64xf32>, vector<64x1024xf32>, vector<64x1024xf32> -> vector<64x1024xf32>
    %dot_general3A_23 = arith.constant dense<0.000000e+00> : vector<64x1024xf32>
    %dot_general3A_24 = tpu.matmul %get3A_4, %get3A_21, %dot_general3A_23 {dimension_numbers = #tpu.dot_dimension_numbers<[1], [1], [0], [0], [0, 0, 1, 0], [], []>, transpose_lhs_hint = false} : vector<64x64xf32>, vector<1024x64xf32>, vector<64x1024xf32> -> vector<64x1024xf32>
    %add3A = arith.addf %dot_general3A_22, %dot_general3A_24 : vector<64x1024xf32>
    %add3A_25 = vector.broadcast %get3A_7 : vector<64x1xf32> to vector<64x1024xf32>
    %add3A_26 = arith.addf %add3A, %add3A_25 : vector<64x1024xf32>
    %max3A = arith.constant 0.000000e+00 : f32
    %max3A_27 = vector.broadcast %max3A : f32 to vector<64x1024xf32>
    %max3A_28 = arith.maximumf %add3A_26, %max3A_27 : vector<64x1024xf32>
    %dot_general3A_29 = arith.constant dense<0.000000e+00> : vector<64x1024xf32>
    %dot_general3A_30 = tpu.matmul %get3A_10, %max3A_28, %dot_general3A_29 {dimension_numbers = #tpu.dot_dimension_numbers<[0], [0], [1], [1], [0, 1, 1, 1], [], []>, transpose_lhs_hint = false} : vector<64x64xf32>, vector<64x1024xf32>, vector<64x1024xf32> -> vector<64x1024xf32>
    %add3A_31 = vector.broadcast %get3A_13 : vector<64x1xf32> to vector<64x1024xf32>
    %add3A_32 = arith.addf %dot_general3A_30, %add3A_31 : vector<64x1024xf32>
    %max3A_33 = arith.constant 0.000000e+00 : f32
    %max3A_34 = vector.broadcast %max3A_33 : f32 to vector<64x1024xf32>
    %max3A_35 = arith.maximumf %add3A_32, %max3A_34 : vector<64x1024xf32>
    %get3A_36 = arith.constant 1 : index
    %get3A_37 = arith.constant 0 : index
    %get3A_38 = arith.constant 0 : index
    %get3A_39 = vector.load %arg1[%get3A_36, %get3A_37, %get3A_38] : memref<2x64x1024xf32, #tpu.memory_space<vmem>>, vector<1x64x1024xf32>
    %get3A_40 = vector.shape_cast %get3A_39 : vector<1x64x1024xf32> to vector<64x1024xf32>
    %get3A_41 = arith.constant 1024 : index
    %get3A_42 = arith.constant 0 : index
    %get3A_43 = vector.load %arg3[%get3A_41, %get3A_42] : memref<2048x128xf32, #tpu.memory_space<vmem>>, vector<1024x64xf32>
    %dot_general3A_44 = arith.constant dense<0.000000e+00> : vector<64x1024xf32>
    %dot_general3A_45 = tpu.matmul %get3A_1, %get3A_40, %dot_general3A_44 {dimension_numbers = #tpu.dot_dimension_numbers<[1], [0], [0], [1], [0, 0, 1, 1], [], []>, transpose_lhs_hint = false} : vector<64x64xf32>, vector<64x1024xf32>, vector<64x1024xf32> -> vector<64x1024xf32>
    %dot_general3A_46 = arith.constant dense<0.000000e+00> : vector<64x1024xf32>
    %dot_general3A_47 = tpu.matmul %get3A_4, %get3A_43, %dot_general3A_46 {dimension_numbers = #tpu.dot_dimension_numbers<[1], [1], [0], [0], [0, 0, 1, 0], [], []>, transpose_lhs_hint = false} : vector<64x64xf32>, vector<1024x64xf32>, vector<64x1024xf32> -> vector<64x1024xf32>
    %add3A_48 = arith.addf %dot_general3A_45, %dot_general3A_47 : vector<64x1024xf32>
    %add3A_49 = vector.broadcast %get3A_7 : vector<64x1xf32> to vector<64x1024xf32>
    %add3A_50 = arith.addf %add3A_48, %add3A_49 : vector<64x1024xf32>
    %max3A_51 = arith.constant 0.000000e+00 : f32
    %max3A_52 = vector.broadcast %max3A_51 : f32 to vector<64x1024xf32>
    %max3A_53 = arith.maximumf %add3A_50, %max3A_52 : vector<64x1024xf32>
    %dot_general3A_54 = arith.constant dense<0.000000e+00> : vector<64x1024xf32>
    %dot_general3A_55 = tpu.matmul %get3A_10, %max3A_53, %dot_general3A_54 {dimension_numbers = #tpu.dot_dimension_numbers<[0], [0], [1], [1], [0, 1, 1, 1], [], []>, transpose_lhs_hint = false} : vector<64x64xf32>, vector<64x1024xf32>, vector<64x1024xf32> -> vector<64x1024xf32>
    %add3A_56 = vector.broadcast %get3A_13 : vector<64x1xf32> to vector<64x1024xf32>
    %add3A_57 = arith.addf %dot_general3A_55, %add3A_56 : vector<64x1024xf32>
    %max3A_58 = arith.constant 0.000000e+00 : f32
    %max3A_59 = vector.broadcast %max3A_58 : f32 to vector<64x1024xf32>
    %max3A_60 = arith.maximumf %add3A_57, %max3A_59 : vector<64x1024xf32>
    %add3A_61 = arith.addf %max3A_35, %max3A_60 : vector<64x1024xf32>
    %get3A_62 = arith.constant 0 : index
    %get3A_63 = arith.constant 0 : index
    %get3A_64 = arith.constant 0 : index
    %get3A_65 = vector.load %arg2[%get3A_62, %get3A_63, %get3A_64] : memref<2x64x1024xf32, #tpu.memory_space<vmem>>, vector<1x64x1024xf32>
    %get3A_66 = vector.shape_cast %get3A_65 : vector<1x64x1024xf32> to vector<64x1024xf32>
    %get3A_67 = arith.constant 0 : index
    %get3A_68 = arith.constant 0 : index
    %get3A_69 = vector.load %arg4[%get3A_67, %get3A_68] : memref<2048x128xf32, #tpu.memory_space<vmem>>, vector<1024x64xf32>
    %dot_general3A_70 = arith.constant dense<0.000000e+00> : vector<64x1024xf32>
    %dot_general3A_71 = tpu.matmul %get3A_1, %get3A_66, %dot_general3A_70 {dimension_numbers = #tpu.dot_dimension_numbers<[1], [0], [0], [1], [0, 0, 1, 1], [], []>, transpose_lhs_hint = false} : vector<64x64xf32>, vector<64x1024xf32>, vector<64x1024xf32> -> vector<64x1024xf32>
    %dot_general3A_72 = arith.constant dense<0.000000e+00> : vector<64x1024xf32>
    %dot_general3A_73 = tpu.matmul %get3A_4, %get3A_69, %dot_general3A_72 {dimension_numbers = #tpu.dot_dimension_numbers<[1], [1], [0], [0], [0, 0, 1, 0], [], []>, transpose_lhs_hint = false} : vector<64x64xf32>, vector<1024x64xf32>, vector<64x1024xf32> -> vector<64x1024xf32>
    %add3A_74 = arith.addf %dot_general3A_71, %dot_general3A_73 : vector<64x1024xf32>
    %add3A_75 = vector.broadcast %get3A_7 : vector<64x1xf32> to vector<64x1024xf32>
    %add3A_76 = arith.addf %add3A_74, %add3A_75 : vector<64x1024xf32>
    %max3A_77 = arith.constant 0.000000e+00 : f32
    %max3A_78 = vector.broadcast %max3A_77 : f32 to vector<64x1024xf32>
    %max3A_79 = arith.maximumf %add3A_76, %max3A_78 : vector<64x1024xf32>
    %dot_general3A_80 = arith.constant dense<0.000000e+00> : vector<64x1024xf32>
    %dot_general3A_81 = tpu.matmul %get3A_10, %max3A_79, %dot_general3A_80 {dimension_numbers = #tpu.dot_dimension_numbers<[0], [0], [1], [1], [0, 1, 1, 1], [], []>, transpose_lhs_hint = false} : vector<64x64xf32>, vector<64x1024xf32>, vector<64x1024xf32> -> vector<64x1024xf32>
    %add3A_82 = vector.broadcast %get3A_13 : vector<64x1xf32> to vector<64x1024xf32>
    %add3A_83 = arith.addf %dot_general3A_81, %add3A_82 : vector<64x1024xf32>
    %max3A_84 = arith.constant 0.000000e+00 : f32
    %max3A_85 = vector.broadcast %max3A_84 : f32 to vector<64x1024xf32>
    %max3A_86 = arith.maximumf %add3A_83, %max3A_85 : vector<64x1024xf32>
    %get3A_87 = arith.constant 1 : index
    %get3A_88 = arith.constant 0 : index
    %get3A_89 = arith.constant 0 : index
    %get3A_90 = vector.load %arg2[%get3A_87, %get3A_88, %get3A_89] : memref<2x64x1024xf32, #tpu.memory_space<vmem>>, vector<1x64x1024xf32>
    %get3A_91 = vector.shape_cast %get3A_90 : vector<1x64x1024xf32> to vector<64x1024xf32>
    %get3A_92 = arith.constant 1024 : index
    %get3A_93 = arith.constant 0 : index
    %get3A_94 = vector.load %arg4[%get3A_92, %get3A_93] : memref<2048x128xf32, #tpu.memory_space<vmem>>, vector<1024x64xf32>
    %dot_general3A_95 = arith.constant dense<0.000000e+00> : vector<64x1024xf32>
    %dot_general3A_96 = tpu.matmul %get3A_1, %get3A_91, %dot_general3A_95 {dimension_numbers = #tpu.dot_dimension_numbers<[1], [0], [0], [1], [0, 0, 1, 1], [], []>, transpose_lhs_hint = false} : vector<64x64xf32>, vector<64x1024xf32>, vector<64x1024xf32> -> vector<64x1024xf32>
    %dot_general3A_97 = arith.constant dense<0.000000e+00> : vector<64x1024xf32>
    %dot_general3A_98 = tpu.matmul %get3A_4, %get3A_94, %dot_general3A_97 {dimension_numbers = #tpu.dot_dimension_numbers<[1], [1], [0], [0], [0, 0, 1, 0], [], []>, transpose_lhs_hint = false} : vector<64x64xf32>, vector<1024x64xf32>, vector<64x1024xf32> -> vector<64x1024xf32>
    %add3A_99 = arith.addf %dot_general3A_96, %dot_general3A_98 : vector<64x1024xf32>
    %add3A_100 = vector.broadcast %get3A_7 : vector<64x1xf32> to vector<64x1024xf32>
    %add3A_101 = arith.addf %add3A_99, %add3A_100 : vector<64x1024xf32>
    %max3A_102 = arith.constant 0.000000e+00 : f32
    %max3A_103 = vector.broadcast %max3A_102 : f32 to vector<64x1024xf32>
    %max3A_104 = arith.maximumf %add3A_101, %max3A_103 : vector<64x1024xf32>
    %dot_general3A_105 = arith.constant dense<0.000000e+00> : vector<64x1024xf32>
    %dot_general3A_106 = tpu.matmul %get3A_10, %max3A_104, %dot_general3A_105 {dimension_numbers = #tpu.dot_dimension_numbers<[0], [0], [1], [1], [0, 1, 1, 1], [], []>, transpose_lhs_hint = false} : vector<64x64xf32>, vector<64x1024xf32>, vector<64x1024xf32> -> vector<64x1024xf32>
    %add3A_107 = vector.broadcast %get3A_13 : vector<64x1xf32> to vector<64x1024xf32>
    %add3A_108 = arith.addf %dot_general3A_106, %add3A_107 : vector<64x1024xf32>
    %max3A_109 = arith.constant 0.000000e+00 : f32
    %max3A_110 = vector.broadcast %max3A_109 : f32 to vector<64x1024xf32>
    %max3A_111 = arith.maximumf %add3A_108, %max3A_110 : vector<64x1024xf32>
    %add3A_112 = arith.addf %max3A_86, %max3A_111 : vector<64x1024xf32>
    %eq3A = arith.constant 0 : i32
    %eq3A_113 = arith.cmpi eq, %arg0, %eq3A : i32
    %convert_element_type3A = arith.extui %eq3A_113 : i1 to i32
    %cond3A = arith.constant 0 : i32
    %cond3A_114 = arith.cmpi ne, %convert_element_type3A, %cond3A : i32
    scf.if %cond3A_114 {
      %broadcast_in_dim3A = arith.constant 0.000000e+00 : f32
      %broadcast_in_dim3A_133 = vector.broadcast %broadcast_in_dim3A : f32 to vector<64x1024xf32>
      %swap3A_134 = arith.constant 0 : index
      %swap3A_135 = arith.constant 0 : index
      %swap3A_136 = vector.load %arg11[%swap3A_134, %swap3A_135] : memref<64x1024xf32, #tpu.memory_space<vmem>>, vector<64x1024xf32>
      tpu.vector_store %arg11[%swap3A_134, %swap3A_135], %broadcast_in_dim3A_133 {strides = array<i32>} : memref<64x1024xf32, #tpu.memory_space<vmem>>, vector<64x1024xf32>,
      %broadcast_in_dim3A_137 = arith.constant 0.000000e+00 : f32
      %broadcast_in_dim3A_138 = vector.broadcast %broadcast_in_dim3A_137 : f32 to vector<64x1024xf32>
      %swap3A_139 = arith.constant 0 : index
      %swap3A_140 = arith.constant 0 : index
      %swap3A_141 = vector.load %arg12[%swap3A_139, %swap3A_140] : memref<64x1024xf32, #tpu.memory_space<vmem>>, vector<64x1024xf32>
      tpu.vector_store %arg12[%swap3A_139, %swap3A_140], %broadcast_in_dim3A_138 {strides = array<i32>} : memref<64x1024xf32, #tpu.memory_space<vmem>>, vector<64x1024xf32>,
    } else {
    }
    %get3A_115 = arith.constant 0 : index
    %get3A_116 = arith.constant 0 : index
    %get3A_117 = vector.load %arg11[%get3A_115, %get3A_116] : memref<64x1024xf32, #tpu.memory_space<vmem>>, vector<64x1024xf32>
    %add3A_118 = arith.addf %get3A_117, %add3A_61 : vector<64x1024xf32>
    %swap3A = arith.constant 0 : index
    %swap3A_119 = arith.constant 0 : index
    %swap3A_120 = vector.load %arg11[%swap3A, %swap3A_119] : memref<64x1024xf32, #tpu.memory_space<vmem>>, vector<64x1024xf32>
    tpu.vector_store %arg11[%swap3A, %swap3A_119], %add3A_118 {strides = array<i32>} : memref<64x1024xf32, #tpu.memory_space<vmem>>, vector<64x1024xf32>,
    %get3A_121 = arith.constant 0 : index
    %get3A_122 = arith.constant 0 : index
    %get3A_123 = vector.load %arg12[%get3A_121, %get3A_122] : memref<64x1024xf32, #tpu.memory_space<vmem>>, vector<64x1024xf32>
    %add3A_124 = arith.addf %get3A_123, %add3A_112 : vector<64x1024xf32>
    %swap3A_125 = arith.constant 0 : index
    %swap3A_126 = arith.constant 0 : index
    %swap3A_127 = vector.load %arg12[%swap3A_125, %swap3A_126] : memref<64x1024xf32, #tpu.memory_space<vmem>>, vector<64x1024xf32>
    tpu.vector_store %arg12[%swap3A_125, %swap3A_126], %add3A_124 {strides = array<i32>} : memref<64x1024xf32, #tpu.memory_space<vmem>>, vector<64x1024xf32>,
    %eq3A_128 = arith.constant 9 : i32
    %eq3A_129 = arith.cmpi eq, %arg0, %eq3A_128 : i32
    %convert_element_type3A_130 = arith.extui %eq3A_129 : i1 to i32
    %cond3A_131 = arith.constant 0 : i32
    %cond3A_132 = arith.cmpi ne, %convert_element_type3A_130, %cond3A_131 : i32
    scf.if %cond3A_132 {
      %get3A_133 = arith.constant 0 : index
      %get3A_134 = arith.constant 0 : index
      %get3A_135 = vector.load %arg11[%get3A_133, %get3A_134] : memref<64x1024xf32, #tpu.memory_space<vmem>>, vector<64x1024xf32>
      %swap3A_136 = arith.constant 0 : index
      %swap3A_137 = arith.constant 0 : index
      %swap3A_138 = vector.load %arg9[%swap3A_136, %swap3A_137] : memref<64x1024xf32, #tpu.memory_space<vmem>>, vector<64x1024xf32>
      tpu.vector_store %arg9[%swap3A_136, %swap3A_137], %get3A_135 {strides = array<i32>} : memref<64x1024xf32, #tpu.memory_space<vmem>>, vector<64x1024xf32>,
      %get3A_139 = arith.constant 0 : index
      %get3A_140 = arith.constant 0 : index
      %get3A_141 = vector.load %arg12[%get3A_139, %get3A_140] : memref<64x1024xf32, #tpu.memory_space<vmem>>, vector<64x1024xf32>
      %swap3A_142 = arith.constant 0 : index
      %swap3A_143 = arith.constant 0 : index
      %swap3A_144 = vector.load %arg10[%swap3A_142, %swap3A_143] : memref<64x1024xf32, #tpu.memory_space<vmem>>, vector<64x1024xf32>
      tpu.vector_store %arg10[%swap3A_142, %swap3A_143], %get3A_141 {strides = array<i32>} : memref<64x1024xf32, #tpu.memory_space<vmem>>, vector<64x1024xf32>,
    } else {
    }
    return
  }
  func.func @transform_0(%arg0: i32) -> (i32, i32, i32) {
    %c0_i32 = arith.constant 0 : i32
    %c0_i32_0 = arith.constant 0 : i32
    %c0_i32_1 = arith.constant 0 : i32
    return %arg0, %c0_i32, %c0_i32_0 : i32, i32, i32
  }
  func.func @transform_1(%arg0: i32) -> (i32, i32, i32) {
    %c0_i32 = arith.constant 0 : i32
    %c0_i32_0 = arith.constant 0 : i32
    %c0_i32_1 = arith.constant 0 : i32
    return %arg0, %c0_i32, %c0_i32_0 : i32, i32, i32
  }
  func.func @transform_2(%arg0: i32) -> (i32, i32) {
    %c0_i32 = arith.constant 0 : i32
    %c0_i32_0 = arith.constant 0 : i32
    return %arg0, %c0_i32 : i32, i32
  }
  func.func @transform_3(%arg0: i32) -> (i32, i32) {
    %c0_i32 = arith.constant 0 : i32
    %c0_i32_0 = arith.constant 0 : i32
    return %arg0, %c0_i32 : i32, i32
  }
  func.func @transform_4(%arg0: i32) -> (i32, i32) {
    %c0_i32 = arith.constant 0 : i32
    %c0_i32_0 = arith.constant 0 : i32
    %c0_i32_1 = arith.constant 0 : i32
    return %c0_i32, %c0_i32_0 : i32, i32
  }
  func.func @transform_5(%arg0: i32) -> (i32, i32) {
    %c0_i32 = arith.constant 0 : i32
    %c0_i32_0 = arith.constant 0 : i32
    %c0_i32_1 = arith.constant 0 : i32
    return %c0_i32, %c0_i32_0 : i32, i32
  }
  func.func @transform_6(%arg0: i32) -> (i32, i32) {
    %c0_i32 = arith.constant 0 : i32
    %c0_i32_0 = arith.constant 0 : i32
    %c0_i32_1 = arith.constant 0 : i32
    return %c0_i32, %c0_i32_0 : i32, i32
  }
  func.func @transform_7(%arg0: i32) -> (i32, i32) {
    %c0_i32 = arith.constant 0 : i32
    %c0_i32_0 = arith.constant 0 : i32
    %c0_i32_1 = arith.constant 0 : i32
    return %c0_i32, %c0_i32_0 : i32, i32
  }
  func.func @transform_8(%arg0: i32) -> (i32, i32) {
    %c0_i32 = arith.constant 0 : i32
    %c0_i32_0 = arith.constant 0 : i32
    %c0_i32_1 = arith.constant 0 : i32
    return %c0_i32, %c0_i32_0 : i32, i32
  }
  func.func @transform_9(%arg0: i32) -> (i32, i32) {
    %c0_i32 = arith.constant 0 : i32
    %c0_i32_0 = arith.constant 0 : i32
    %c0_i32_1 = arith.constant 0 : i32
    return %c0_i32, %c0_i32_0 : i32, i32
  }
}

module attributes {stable_mosaic.version = 14 : i64} {
  func.func @_tc_final_body(%arg0: i32, %arg1: memref<2x64x1024xf32, #tpu.memory_space<vmem>>, %arg2: memref<2x64x1024xf32, #tpu.memory_space<vmem>>, %arg3: memref<2048x128xf32, #tpu.memory_space<vmem>>, %arg4: memref<2048x128xf32, #tpu.memory_space<vmem>>, %arg5: memref<64x1024xf32, #tpu.memory_space<vmem>>, %arg6: memref<64x1024xf32, #tpu.memory_space<vmem>>, %arg7: memref<64x128xf32, #tpu.memory_space<vmem>>, %arg8: memref<64x1xf32, #tpu.memory_space<vmem>>, %arg9: memref<64x64xf32, #tpu.memory_space<vmem>>, %arg10: memref<64x1xf32, #tpu.memory_space<vmem>>, %arg11: memref<64x128xf32, #tpu.memory_space<vmem>>, %arg12: memref<64x1xf32, #tpu.memory_space<vmem>>, %arg13: memref<64x64xf32, #tpu.memory_space<vmem>>, %arg14: memref<64x1xf32, #tpu.memory_space<vmem>>, %arg15: memref<1024xf32, #tpu.memory_space<vmem>>, %arg16: memref<64x1024xf32, #tpu.memory_space<vmem>>, %arg17: memref<64x1024xf32, #tpu.memory_space<vmem>>) attributes {dimension_semantics = [#tpu.dimension_semantics<arbitrary>], iteration_bounds = array<i64: 11>, scalar_prefetch = 0 : i64, scratch_operands = 2 : i64, tpu.core_type = #tpu.core_type<tc>, window_params = [{transform_indices = @transform_0, window_bounds = array<i64: 2, 64, 1024>}, {transform_indices = @transform_1, window_bounds = array<i64: 2, 64, 1024>}, {transform_indices = @transform_2, window_bounds = array<i64: 2048, 128>}, {transform_indices = @transform_3, window_bounds = array<i64: 2048, 128>}, {pipeline_mode = #tpu.pipeline_mode<synchronous>, transform_indices = @transform_4, window_bounds = array<i64: 64, 1024>}, {pipeline_mode = #tpu.pipeline_mode<synchronous>, transform_indices = @transform_5, window_bounds = array<i64: 64, 1024>}, {pipeline_mode = #tpu.pipeline_mode<synchronous>, transform_indices = @transform_6, window_bounds = array<i64: 64, 128>}, {pipeline_mode = #tpu.pipeline_mode<synchronous>, transform_indices = @transform_7, window_bounds = array<i64: 64, 1>}, {pipeline_mode = #tpu.pipeline_mode<synchronous>, transform_indices = @transform_8, window_bounds = array<i64: 64, 64>}, {pipeline_mode = #tpu.pipeline_mode<synchronous>, transform_indices = @transform_9, window_bounds = array<i64: 64, 1>}, {pipeline_mode = #tpu.pipeline_mode<synchronous>, transform_indices = @transform_10, window_bounds = array<i64: 64, 128>}, {pipeline_mode = #tpu.pipeline_mode<synchronous>, transform_indices = @transform_11, window_bounds = array<i64: 64, 1>}, {pipeline_mode = #tpu.pipeline_mode<synchronous>, transform_indices = @transform_12, window_bounds = array<i64: 64, 64>}, {pipeline_mode = #tpu.pipeline_mode<synchronous>, transform_indices = @transform_13, window_bounds = array<i64: 64, 1>}, {pipeline_mode = #tpu.pipeline_mode<synchronous>, transform_indices = @transform_14, window_bounds = array<i64: 1024>}]} {
    %get3A = arith.constant 0 : index
    %get3A_0 = arith.constant 0 : index
    %get3A_1 = vector.load %arg7[%get3A, %get3A_0] : memref<64x128xf32, #tpu.memory_space<vmem>>, vector<64x64xf32>
    %get3A_2 = arith.constant 0 : index
    %get3A_3 = arith.constant 64 : index
    %get3A_4 = vector.load %arg7[%get3A_2, %get3A_3] : memref<64x128xf32, #tpu.memory_space<vmem>>, vector<64x64xf32>
    %get3A_5 = arith.constant 0 : index
    %get3A_6 = arith.constant 0 : index
    %get3A_7 = vector.load %arg8[%get3A_5, %get3A_6] : memref<64x1xf32, #tpu.memory_space<vmem>>, vector<64x1xf32>
    %get3A_8 = arith.constant 0 : index
    %get3A_9 = arith.constant 0 : index
    %get3A_10 = vector.load %arg9[%get3A_8, %get3A_9] : memref<64x64xf32, #tpu.memory_space<vmem>>, vector<64x64xf32>
    %get3A_11 = arith.constant 0 : index
    %get3A_12 = arith.constant 0 : index
    %get3A_13 = vector.load %arg10[%get3A_11, %get3A_12] : memref<64x1xf32, #tpu.memory_space<vmem>>, vector<64x1xf32>
    %get3A_14 = arith.constant 0 : index
    %get3A_15 = arith.constant 0 : index
    %get3A_16 = arith.constant 0 : index
    %get3A_17 = vector.load %arg1[%get3A_14, %get3A_15, %get3A_16] : memref<2x64x1024xf32, #tpu.memory_space<vmem>>, vector<1x64x1024xf32>
    %get3A_18 = vector.shape_cast %get3A_17 : vector<1x64x1024xf32> to vector<64x1024xf32>
    %get3A_19 = arith.constant 0 : index
    %get3A_20 = arith.constant 0 : index
    %get3A_21 = vector.load %arg3[%get3A_19, %get3A_20] : memref<2048x128xf32, #tpu.memory_space<vmem>>, vector<1024x64xf32>
    %dot_general3A = arith.constant dense<0.000000e+00> : vector<64x1024xf32>
    %dot_general3A_22 = tpu.matmul %get3A_1, %get3A_18, %dot_general3A {dimension_numbers = #tpu.dot_dimension_numbers<[1], [0], [0], [1], [0, 0, 1, 1], [], []>, transpose_lhs_hint = false} : vector<64x64xf32>, vector<64x1024xf32>, vector<64x1024xf32> -> vector<64x1024xf32>
    %dot_general3A_23 = arith.constant dense<0.000000e+00> : vector<64x1024xf32>
    %dot_general3A_24 = tpu.matmul %get3A_4, %get3A_21, %dot_general3A_23 {dimension_numbers = #tpu.dot_dimension_numbers<[1], [1], [0], [0], [0, 0, 1, 0], [], []>, transpose_lhs_hint = false} : vector<64x64xf32>, vector<1024x64xf32>, vector<64x1024xf32> -> vector<64x1024xf32>
    %add3A = arith.addf %dot_general3A_22, %dot_general3A_24 : vector<64x1024xf32>
    %add3A_25 = vector.broadcast %get3A_7 : vector<64x1xf32> to vector<64x1024xf32>
    %add3A_26 = arith.addf %add3A, %add3A_25 : vector<64x1024xf32>
    %max3A = arith.constant 0.000000e+00 : f32
    %max3A_27 = vector.broadcast %max3A : f32 to vector<64x1024xf32>
    %max3A_28 = arith.maximumf %add3A_26, %max3A_27 : vector<64x1024xf32>
    %dot_general3A_29 = arith.constant dense<0.000000e+00> : vector<64x1024xf32>
    %dot_general3A_30 = tpu.matmul %get3A_10, %max3A_28, %dot_general3A_29 {dimension_numbers = #tpu.dot_dimension_numbers<[0], [0], [1], [1], [0, 1, 1, 1], [], []>, transpose_lhs_hint = false} : vector<64x64xf32>, vector<64x1024xf32>, vector<64x1024xf32> -> vector<64x1024xf32>
    %add3A_31 = vector.broadcast %get3A_13 : vector<64x1xf32> to vector<64x1024xf32>
    %add3A_32 = arith.addf %dot_general3A_30, %add3A_31 : vector<64x1024xf32>
    %max3A_33 = arith.constant 0.000000e+00 : f32
    %max3A_34 = vector.broadcast %max3A_33 : f32 to vector<64x1024xf32>
    %max3A_35 = arith.maximumf %add3A_32, %max3A_34 : vector<64x1024xf32>
    %get3A_36 = arith.constant 0 : index
    %get3A_37 = arith.constant 0 : index
    %get3A_38 = arith.constant 0 : index
    %get3A_39 = vector.load %arg2[%get3A_36, %get3A_37, %get3A_38] : memref<2x64x1024xf32, #tpu.memory_space<vmem>>, vector<1x64x1024xf32>
    %get3A_40 = vector.shape_cast %get3A_39 : vector<1x64x1024xf32> to vector<64x1024xf32>
    %get3A_41 = arith.constant 0 : index
    %get3A_42 = arith.constant 0 : index
    %get3A_43 = vector.load %arg4[%get3A_41, %get3A_42] : memref<2048x128xf32, #tpu.memory_space<vmem>>, vector<1024x64xf32>
    %dot_general3A_44 = arith.constant dense<0.000000e+00> : vector<64x1024xf32>
    %dot_general3A_45 = tpu.matmul %get3A_1, %get3A_40, %dot_general3A_44 {dimension_numbers = #tpu.dot_dimension_numbers<[1], [0], [0], [1], [0, 0, 1, 1], [], []>, transpose_lhs_hint = false} : vector<64x64xf32>, vector<64x1024xf32>, vector<64x1024xf32> -> vector<64x1024xf32>
    %dot_general3A_46 = arith.constant dense<0.000000e+00> : vector<64x1024xf32>
    %dot_general3A_47 = tpu.matmul %get3A_4, %get3A_43, %dot_general3A_46 {dimension_numbers = #tpu.dot_dimension_numbers<[1], [1], [0], [0], [0, 0, 1, 0], [], []>, transpose_lhs_hint = false} : vector<64x64xf32>, vector<1024x64xf32>, vector<64x1024xf32> -> vector<64x1024xf32>
    %add3A_48 = arith.addf %dot_general3A_45, %dot_general3A_47 : vector<64x1024xf32>
    %add3A_49 = vector.broadcast %get3A_7 : vector<64x1xf32> to vector<64x1024xf32>
    %add3A_50 = arith.addf %add3A_48, %add3A_49 : vector<64x1024xf32>
    %max3A_51 = arith.constant 0.000000e+00 : f32
    %max3A_52 = vector.broadcast %max3A_51 : f32 to vector<64x1024xf32>
    %max3A_53 = arith.maximumf %add3A_50, %max3A_52 : vector<64x1024xf32>
    %dot_general3A_54 = arith.constant dense<0.000000e+00> : vector<64x1024xf32>
    %dot_general3A_55 = tpu.matmul %get3A_10, %max3A_53, %dot_general3A_54 {dimension_numbers = #tpu.dot_dimension_numbers<[0], [0], [1], [1], [0, 1, 1, 1], [], []>, transpose_lhs_hint = false} : vector<64x64xf32>, vector<64x1024xf32>, vector<64x1024xf32> -> vector<64x1024xf32>
    %add3A_56 = vector.broadcast %get3A_13 : vector<64x1xf32> to vector<64x1024xf32>
    %add3A_57 = arith.addf %dot_general3A_55, %add3A_56 : vector<64x1024xf32>
    %max3A_58 = arith.constant 0.000000e+00 : f32
    %max3A_59 = vector.broadcast %max3A_58 : f32 to vector<64x1024xf32>
    %max3A_60 = arith.maximumf %add3A_57, %max3A_59 : vector<64x1024xf32>
    %get3A_61 = arith.constant 1 : index
    %get3A_62 = arith.constant 0 : index
    %get3A_63 = arith.constant 0 : index
    %get3A_64 = vector.load %arg1[%get3A_61, %get3A_62, %get3A_63] : memref<2x64x1024xf32, #tpu.memory_space<vmem>>, vector<1x64x1024xf32>
    %get3A_65 = vector.shape_cast %get3A_64 : vector<1x64x1024xf32> to vector<64x1024xf32>
    %get3A_66 = arith.constant 1024 : index
    %get3A_67 = arith.constant 0 : index
    %get3A_68 = vector.load %arg3[%get3A_66, %get3A_67] : memref<2048x128xf32, #tpu.memory_space<vmem>>, vector<1024x64xf32>
    %dot_general3A_69 = arith.constant dense<0.000000e+00> : vector<64x1024xf32>
    %dot_general3A_70 = tpu.matmul %get3A_1, %get3A_65, %dot_general3A_69 {dimension_numbers = #tpu.dot_dimension_numbers<[1], [0], [0], [1], [0, 0, 1, 1], [], []>, transpose_lhs_hint = false} : vector<64x64xf32>, vector<64x1024xf32>, vector<64x1024xf32> -> vector<64x1024xf32>
    %dot_general3A_71 = arith.constant dense<0.000000e+00> : vector<64x1024xf32>
    %dot_general3A_72 = tpu.matmul %get3A_4, %get3A_68, %dot_general3A_71 {dimension_numbers = #tpu.dot_dimension_numbers<[1], [1], [0], [0], [0, 0, 1, 0], [], []>, transpose_lhs_hint = false} : vector<64x64xf32>, vector<1024x64xf32>, vector<64x1024xf32> -> vector<64x1024xf32>
    %add3A_73 = arith.addf %dot_general3A_70, %dot_general3A_72 : vector<64x1024xf32>
    %add3A_74 = vector.broadcast %get3A_7 : vector<64x1xf32> to vector<64x1024xf32>
    %add3A_75 = arith.addf %add3A_73, %add3A_74 : vector<64x1024xf32>
    %max3A_76 = arith.constant 0.000000e+00 : f32
    %max3A_77 = vector.broadcast %max3A_76 : f32 to vector<64x1024xf32>
    %max3A_78 = arith.maximumf %add3A_75, %max3A_77 : vector<64x1024xf32>
    %dot_general3A_79 = arith.constant dense<0.000000e+00> : vector<64x1024xf32>
    %dot_general3A_80 = tpu.matmul %get3A_10, %max3A_78, %dot_general3A_79 {dimension_numbers = #tpu.dot_dimension_numbers<[0], [0], [1], [1], [0, 1, 1, 1], [], []>, transpose_lhs_hint = false} : vector<64x64xf32>, vector<64x1024xf32>, vector<64x1024xf32> -> vector<64x1024xf32>
    %add3A_81 = vector.broadcast %get3A_13 : vector<64x1xf32> to vector<64x1024xf32>
    %add3A_82 = arith.addf %dot_general3A_80, %add3A_81 : vector<64x1024xf32>
    %max3A_83 = arith.constant 0.000000e+00 : f32
    %max3A_84 = vector.broadcast %max3A_83 : f32 to vector<64x1024xf32>
    %max3A_85 = arith.maximumf %add3A_82, %max3A_84 : vector<64x1024xf32>
    %get3A_86 = arith.constant 1 : index
    %get3A_87 = arith.constant 0 : index
    %get3A_88 = arith.constant 0 : index
    %get3A_89 = vector.load %arg2[%get3A_86, %get3A_87, %get3A_88] : memref<2x64x1024xf32, #tpu.memory_space<vmem>>, vector<1x64x1024xf32>
    %get3A_90 = vector.shape_cast %get3A_89 : vector<1x64x1024xf32> to vector<64x1024xf32>
    %get3A_91 = arith.constant 1024 : index
    %get3A_92 = arith.constant 0 : index
    %get3A_93 = vector.load %arg4[%get3A_91, %get3A_92] : memref<2048x128xf32, #tpu.memory_space<vmem>>, vector<1024x64xf32>
    %dot_general3A_94 = arith.constant dense<0.000000e+00> : vector<64x1024xf32>
    %dot_general3A_95 = tpu.matmul %get3A_1, %get3A_90, %dot_general3A_94 {dimension_numbers = #tpu.dot_dimension_numbers<[1], [0], [0], [1], [0, 0, 1, 1], [], []>, transpose_lhs_hint = false} : vector<64x64xf32>, vector<64x1024xf32>, vector<64x1024xf32> -> vector<64x1024xf32>
    %dot_general3A_96 = arith.constant dense<0.000000e+00> : vector<64x1024xf32>
    %dot_general3A_97 = tpu.matmul %get3A_4, %get3A_93, %dot_general3A_96 {dimension_numbers = #tpu.dot_dimension_numbers<[1], [1], [0], [0], [0, 0, 1, 0], [], []>, transpose_lhs_hint = false} : vector<64x64xf32>, vector<1024x64xf32>, vector<64x1024xf32> -> vector<64x1024xf32>
    %add3A_98 = arith.addf %dot_general3A_95, %dot_general3A_97 : vector<64x1024xf32>
    %add3A_99 = vector.broadcast %get3A_7 : vector<64x1xf32> to vector<64x1024xf32>
    %add3A_100 = arith.addf %add3A_98, %add3A_99 : vector<64x1024xf32>
    %max3A_101 = arith.constant 0.000000e+00 : f32
    %max3A_102 = vector.broadcast %max3A_101 : f32 to vector<64x1024xf32>
    %max3A_103 = arith.maximumf %add3A_100, %max3A_102 : vector<64x1024xf32>
    %dot_general3A_104 = arith.constant dense<0.000000e+00> : vector<64x1024xf32>
    %dot_general3A_105 = tpu.matmul %get3A_10, %max3A_103, %dot_general3A_104 {dimension_numbers = #tpu.dot_dimension_numbers<[0], [0], [1], [1], [0, 1, 1, 1], [], []>, transpose_lhs_hint = false} : vector<64x64xf32>, vector<64x1024xf32>, vector<64x1024xf32> -> vector<64x1024xf32>
    %add3A_106 = vector.broadcast %get3A_13 : vector<64x1xf32> to vector<64x1024xf32>
    %add3A_107 = arith.addf %dot_general3A_105, %add3A_106 : vector<64x1024xf32>
    %max3A_108 = arith.constant 0.000000e+00 : f32
    %max3A_109 = vector.broadcast %max3A_108 : f32 to vector<64x1024xf32>
    %max3A_110 = arith.maximumf %add3A_107, %max3A_109 : vector<64x1024xf32>
    %eq3A = arith.constant 0 : i32
    %eq3A_111 = arith.cmpi eq, %arg0, %eq3A : i32
    %convert_element_type3A = arith.extui %eq3A_111 : i1 to i32
    %cond3A = arith.constant 0 : i32
    %cond3A_112 = arith.cmpi ne, %convert_element_type3A, %cond3A : i32
    scf.if %cond3A_112 {
      %get3A_122 = arith.constant 0 : index
      %get3A_123 = arith.constant 0 : index
      %get3A_124 = vector.load %arg5[%get3A_122, %get3A_123] : memref<64x1024xf32, #tpu.memory_space<vmem>>, vector<64x1024xf32>
      %swap3A = arith.constant 0 : index
      %swap3A_125 = arith.constant 0 : index
      %swap3A_126 = vector.load %arg16[%swap3A, %swap3A_125] : memref<64x1024xf32, #tpu.memory_space<vmem>>, vector<64x1024xf32>
      tpu.vector_store %arg16[%swap3A, %swap3A_125], %get3A_124 {strides = array<i32>} : memref<64x1024xf32, #tpu.memory_space<vmem>>, vector<64x1024xf32>,
      %get3A_127 = arith.constant 0 : index
      %get3A_128 = arith.constant 0 : index
      %get3A_129 = vector.load %arg6[%get3A_127, %get3A_128] : memref<64x1024xf32, #tpu.memory_space<vmem>>, vector<64x1024xf32>
      %swap3A_130 = arith.constant 0 : index
      %swap3A_131 = arith.constant 0 : index
      %swap3A_132 = vector.load %arg17[%swap3A_130, %swap3A_131] : memref<64x1024xf32, #tpu.memory_space<vmem>>, vector<64x1024xf32>
      tpu.vector_store %arg17[%swap3A_130, %swap3A_131], %get3A_129 {strides = array<i32>} : memref<64x1024xf32, #tpu.memory_space<vmem>>, vector<64x1024xf32>,
    } else {
    }
    %lt3A = arith.constant 10 : i32
    %lt3A_113 = arith.cmpi slt, %arg0, %lt3A : i32
    %convert_element_type3A_114 = arith.extui %lt3A_113 : i1 to i32
    %cond3A_115 = arith.constant 0 : i32
    %cond3A_116 = arith.cmpi ne, %convert_element_type3A_114, %cond3A_115 : i32
    scf.if %cond3A_116 {
      %get3A_122 = arith.constant 0 : index
      %get3A_123 = arith.constant 0 : index
      %get3A_124 = vector.load %arg16[%get3A_122, %get3A_123] : memref<64x1024xf32, #tpu.memory_space<vmem>>, vector<64x1024xf32>
      %add3A_125 = arith.addf %max3A_35, %max3A_85 : vector<64x1024xf32>
      %add3A_126 = arith.addf %get3A_124, %add3A_125 : vector<64x1024xf32>
      %swap3A = arith.constant 0 : index
      %swap3A_127 = arith.constant 0 : index
      %swap3A_128 = vector.load %arg16[%swap3A, %swap3A_127] : memref<64x1024xf32, #tpu.memory_space<vmem>>, vector<64x1024xf32>
      tpu.vector_store %arg16[%swap3A, %swap3A_127], %add3A_126 {strides = array<i32>} : memref<64x1024xf32, #tpu.memory_space<vmem>>, vector<64x1024xf32>,
      %get3A_129 = arith.constant 0 : index
      %get3A_130 = arith.constant 0 : index
      %get3A_131 = vector.load %arg17[%get3A_129, %get3A_130] : memref<64x1024xf32, #tpu.memory_space<vmem>>, vector<64x1024xf32>
      %add3A_132 = arith.addf %max3A_60, %max3A_110 : vector<64x1024xf32>
      %add3A_133 = arith.addf %get3A_131, %add3A_132 : vector<64x1024xf32>
      %swap3A_134 = arith.constant 0 : index
      %swap3A_135 = arith.constant 0 : index
      %swap3A_136 = vector.load %arg17[%swap3A_134, %swap3A_135] : memref<64x1024xf32, #tpu.memory_space<vmem>>, vector<64x1024xf32>
      tpu.vector_store %arg17[%swap3A_134, %swap3A_135], %add3A_133 {strides = array<i32>} : memref<64x1024xf32, #tpu.memory_space<vmem>>, vector<64x1024xf32>,
    } else {
    }
    %eq3A_117 = arith.constant 10 : i32
    %eq3A_118 = arith.cmpi eq, %arg0, %eq3A_117 : i32
    %convert_element_type3A_119 = arith.extui %eq3A_118 : i1 to i32
    %cond3A_120 = arith.constant 0 : i32
    %cond3A_121 = arith.cmpi ne, %convert_element_type3A_119, %cond3A_120 : i32
    scf.if %cond3A_121 {
      %get3A_122 = arith.constant 0 : index
      %get3A_123 = arith.constant 0 : index
      %get3A_124 = vector.load %arg11[%get3A_122, %get3A_123] : memref<64x128xf32, #tpu.memory_space<vmem>>, vector<64x64xf32>
      %get3A_125 = arith.constant 0 : index
      %get3A_126 = arith.constant 64 : index
      %get3A_127 = vector.load %arg11[%get3A_125, %get3A_126] : memref<64x128xf32, #tpu.memory_space<vmem>>, vector<64x64xf32>
      %get3A_128 = arith.constant 0 : index
      %get3A_129 = arith.constant 0 : index
      %get3A_130 = vector.load %arg12[%get3A_128, %get3A_129] : memref<64x1xf32, #tpu.memory_space<vmem>>, vector<64x1xf32>
      %get3A_131 = arith.constant 0 : index
      %get3A_132 = arith.constant 0 : index
      %get3A_133 = vector.load %arg13[%get3A_131, %get3A_132] : memref<64x64xf32, #tpu.memory_space<vmem>>, vector<64x64xf32>
      %get3A_134 = arith.constant 0 : index
      %get3A_135 = arith.constant 0 : index
      %get3A_136 = vector.load %arg14[%get3A_134, %get3A_135] : memref<64x1xf32, #tpu.memory_space<vmem>>, vector<64x1xf32>
      %get3A_137 = arith.constant 0 : index
      %get3A_138 = arith.constant 0 : index
      %get3A_139 = vector.load %arg16[%get3A_137, %get3A_138] : memref<64x1024xf32, #tpu.memory_space<vmem>>, vector<64x1024xf32>
      %dot_general3A_140 = arith.constant dense<0.000000e+00> : vector<64x1024xf32>
      %dot_general3A_141 = tpu.matmul %get3A_124, %max3A_35, %dot_general3A_140 {dimension_numbers = #tpu.dot_dimension_numbers<[1], [0], [0], [1], [0, 0, 1, 1], [], []>, transpose_lhs_hint = false} : vector<64x64xf32>, vector<64x1024xf32>, vector<64x1024xf32> -> vector<64x1024xf32>
      %dot_general3A_142 = arith.constant dense<0.000000e+00> : vector<64x1024xf32>
      %dot_general3A_143 = tpu.matmul %get3A_127, %get3A_139, %dot_general3A_142 {dimension_numbers = #tpu.dot_dimension_numbers<[1], [0], [0], [1], [0, 0, 1, 1], [], []>, transpose_lhs_hint = false} : vector<64x64xf32>, vector<64x1024xf32>, vector<64x1024xf32> -> vector<64x1024xf32>
      %add3A_144 = arith.addf %dot_general3A_141, %dot_general3A_143 : vector<64x1024xf32>
      %add3A_145 = vector.broadcast %get3A_130 : vector<64x1xf32> to vector<64x1024xf32>
      %add3A_146 = arith.addf %add3A_144, %add3A_145 : vector<64x1024xf32>
      %max3A_147 = arith.constant 0.000000e+00 : f32
      %max3A_148 = vector.broadcast %max3A_147 : f32 to vector<64x1024xf32>
      %max3A_149 = arith.maximumf %add3A_146, %max3A_148 : vector<64x1024xf32>
      %dot_general3A_150 = arith.constant dense<0.000000e+00> : vector<64x1024xf32>
      %dot_general3A_151 = tpu.matmul %get3A_133, %max3A_149, %dot_general3A_150 {dimension_numbers = #tpu.dot_dimension_numbers<[0], [0], [1], [1], [0, 1, 1, 1], [], []>, transpose_lhs_hint = false} : vector<64x64xf32>, vector<64x1024xf32>, vector<64x1024xf32> -> vector<64x1024xf32>
      %add3A_152 = vector.broadcast %get3A_136 : vector<64x1xf32> to vector<64x1024xf32>
      %add3A_153 = arith.addf %dot_general3A_151, %add3A_152 : vector<64x1024xf32>
      %max3A_154 = arith.constant 0.000000e+00 : f32
      %max3A_155 = vector.broadcast %max3A_154 : f32 to vector<64x1024xf32>
      %max3A_156 = arith.maximumf %add3A_153, %max3A_155 : vector<64x1024xf32>
      %get3A_157 = arith.constant 0 : index
      %get3A_158 = arith.constant 0 : index
      %get3A_159 = vector.load %arg17[%get3A_157, %get3A_158] : memref<64x1024xf32, #tpu.memory_space<vmem>>, vector<64x1024xf32>
      %dot_general3A_160 = arith.constant dense<0.000000e+00> : vector<64x1024xf32>
      %dot_general3A_161 = tpu.matmul %get3A_124, %max3A_60, %dot_general3A_160 {dimension_numbers = #tpu.dot_dimension_numbers<[1], [0], [0], [1], [0, 0, 1, 1], [], []>, transpose_lhs_hint = false} : vector<64x64xf32>, vector<64x1024xf32>, vector<64x1024xf32> -> vector<64x1024xf32>
      %dot_general3A_162 = arith.constant dense<0.000000e+00> : vector<64x1024xf32>
      %dot_general3A_163 = tpu.matmul %get3A_127, %get3A_159, %dot_general3A_162 {dimension_numbers = #tpu.dot_dimension_numbers<[1], [0], [0], [1], [0, 0, 1, 1], [], []>, transpose_lhs_hint = false} : vector<64x64xf32>, vector<64x1024xf32>, vector<64x1024xf32> -> vector<64x1024xf32>
      %add3A_164 = arith.addf %dot_general3A_161, %dot_general3A_163 : vector<64x1024xf32>
      %add3A_165 = vector.broadcast %get3A_130 : vector<64x1xf32> to vector<64x1024xf32>
      %add3A_166 = arith.addf %add3A_164, %add3A_165 : vector<64x1024xf32>
      %max3A_167 = arith.constant 0.000000e+00 : f32
      %max3A_168 = vector.broadcast %max3A_167 : f32 to vector<64x1024xf32>
      %max3A_169 = arith.maximumf %add3A_166, %max3A_168 : vector<64x1024xf32>
      %dot_general3A_170 = arith.constant dense<0.000000e+00> : vector<64x1024xf32>
      %dot_general3A_171 = tpu.matmul %get3A_133, %max3A_169, %dot_general3A_170 {dimension_numbers = #tpu.dot_dimension_numbers<[0], [0], [1], [1], [0, 1, 1, 1], [], []>, transpose_lhs_hint = false} : vector<64x64xf32>, vector<64x1024xf32>, vector<64x1024xf32> -> vector<64x1024xf32>
      %add3A_172 = vector.broadcast %get3A_136 : vector<64x1xf32> to vector<64x1024xf32>
      %add3A_173 = arith.addf %dot_general3A_171, %add3A_172 : vector<64x1024xf32>
      %max3A_174 = arith.constant 0.000000e+00 : f32
      %max3A_175 = vector.broadcast %max3A_174 : f32 to vector<64x1024xf32>
      %max3A_176 = arith.maximumf %add3A_173, %max3A_175 : vector<64x1024xf32>
      %mul3A = arith.mulf %max3A_156, %max3A_176 : vector<64x1024xf32>
      %reduce_sum3A = arith.constant dense<0.000000e+00> : vector<1024xf32>
      %reduce_sum3A_177 = vector.multi_reduction <add>, %mul3A, %reduce_sum3A [0] : vector<64x1024xf32> to vector<1024xf32>
      %swap3A = arith.constant 0 : index
      %swap3A_178 = vector.load %arg15[%swap3A] : memref<1024xf32, #tpu.memory_space<vmem>>, vector<1024xf32>
      tpu.vector_store %arg15[%swap3A], %reduce_sum3A_177 {strides = array<i32>} : memref<1024xf32, #tpu.memory_space<vmem>>, vector<1024xf32>,
    } else {
    }
    return
  }
  func.func @transform_0(%arg0: i32) -> (i32, i32, i32) {
    %add3A = arith.constant 10 : i32
    %add3A_0 = arith.addi %arg0, %add3A : i32
    %c0_i32 = arith.constant 0 : i32
    %c0_i32_1 = arith.constant 0 : i32
    %c0_i32_2 = arith.constant 0 : i32
    return %add3A_0, %c0_i32, %c0_i32_1 : i32, i32, i32
  }
  func.func @transform_1(%arg0: i32) -> (i32, i32, i32) {
    %add3A = arith.constant 10 : i32
    %add3A_0 = arith.addi %arg0, %add3A : i32
    %c0_i32 = arith.constant 0 : i32
    %c0_i32_1 = arith.constant 0 : i32
    %c0_i32_2 = arith.constant 0 : i32
    return %add3A_0, %c0_i32, %c0_i32_1 : i32, i32, i32
  }
  func.func @transform_2(%arg0: i32) -> (i32, i32) {
    %c0_i32 = arith.constant 0 : i32
    %c0_i32_0 = arith.constant 0 : i32
    return %arg0, %c0_i32 : i32, i32
  }
  func.func @transform_3(%arg0: i32) -> (i32, i32) {
    %c0_i32 = arith.constant 0 : i32
    %c0_i32_0 = arith.constant 0 : i32
    return %arg0, %c0_i32 : i32, i32
  }
  func.func @transform_4(%arg0: i32) -> (i32, i32) {
    %c0_i32 = arith.constant 0 : i32
    %c0_i32_0 = arith.constant 0 : i32
    %c0_i32_1 = arith.constant 0 : i32
    return %c0_i32, %c0_i32_0 : i32, i32
  }
  func.func @transform_5(%arg0: i32) -> (i32, i32) {
    %c0_i32 = arith.constant 0 : i32
    %c0_i32_0 = arith.constant 0 : i32
    %c0_i32_1 = arith.constant 0 : i32
    return %c0_i32, %c0_i32_0 : i32, i32
  }
  func.func @transform_6(%arg0: i32) -> (i32, i32) {
    %c0_i32 = arith.constant 0 : i32
    %c0_i32_0 = arith.constant 0 : i32
    %c0_i32_1 = arith.constant 0 : i32
    return %c0_i32, %c0_i32_0 : i32, i32
  }
  func.func @transform_7(%arg0: i32) -> (i32, i32) {
    %c0_i32 = arith.constant 0 : i32
    %c0_i32_0 = arith.constant 0 : i32
    %c0_i32_1 = arith.constant 0 : i32
    return %c0_i32, %c0_i32_0 : i32, i32
  }
  func.func @transform_8(%arg0: i32) -> (i32, i32) {
    %c0_i32 = arith.constant 0 : i32
    %c0_i32_0 = arith.constant 0 : i32
    %c0_i32_1 = arith.constant 0 : i32
    return %c0_i32, %c0_i32_0 : i32, i32
  }
  func.func @transform_9(%arg0: i32) -> (i32, i32) {
    %c0_i32 = arith.constant 0 : i32
    %c0_i32_0 = arith.constant 0 : i32
    %c0_i32_1 = arith.constant 0 : i32
    return %c0_i32, %c0_i32_0 : i32, i32
  }
  func.func @transform_10(%arg0: i32) -> (i32, i32) {
    %c0_i32 = arith.constant 0 : i32
    %c0_i32_0 = arith.constant 0 : i32
    %c0_i32_1 = arith.constant 0 : i32
    return %c0_i32, %c0_i32_0 : i32, i32
  }
  func.func @transform_11(%arg0: i32) -> (i32, i32) {
    %c0_i32 = arith.constant 0 : i32
    %c0_i32_0 = arith.constant 0 : i32
    %c0_i32_1 = arith.constant 0 : i32
    return %c0_i32, %c0_i32_0 : i32, i32
  }
  func.func @transform_12(%arg0: i32) -> (i32, i32) {
    %c0_i32 = arith.constant 0 : i32
    %c0_i32_0 = arith.constant 0 : i32
    %c0_i32_1 = arith.constant 0 : i32
    return %c0_i32, %c0_i32_0 : i32, i32
  }
  func.func @transform_13(%arg0: i32) -> (i32, i32) {
    %c0_i32 = arith.constant 0 : i32
    %c0_i32_0 = arith.constant 0 : i32
    %c0_i32_1 = arith.constant 0 : i32
    return %c0_i32, %c0_i32_0 : i32, i32
  }
  func.func @transform_14(%arg0: i32) -> i32 {
    %c0_i32 = arith.constant 0 : i32
    %c0_i32_0 = arith.constant 0 : i32
    return %c0_i32 : i32
  }
}

</mosaic_0001>

<sc_bundles>
// kernel: kernel.6.cloned.1.call-start
scs
__scs_entry_jumppad:
0x0: {  	(pc) =	sbr.rel $0x88, $3  }
0x1: {  	(tag) =	ssettag $0x0;
	lr =	simm.s32 $0x1  }
0x2: {  	[smem:$0x3F8F] =	sst lr;
	_ =	strace $0xD0000000  }
0x3: {  	_ = 	snop  }
0x4: {  	_ = 	snop  }
0x5: {  	_ = 	snop  }
0x6: {  	_ = 	snop  }
0x7: {  	_ = 	snop  }
__scs_overlays_trampoline_lowered:
0x8: {  	[smem:$0x3F9E] =	sst s0  }
0x9: {  	[smem:$0x3F9F] =	sst s1  }
0xa: {  	[smem:$0x3FA0] =	sst s2  }
0xb: {  	[smem:$0x3FA1] =	sst s3  }
0xc: {  	[smem:$0x3FA2] =	sst s4  }
0xd: {  	[smem:$0x3FA3] =	sst s5  }
0xe: {  	[smem:$0x3FA4] =	sst s6  }
0xf: {  	[smem:$0x3FA5] =	sst s7  }
0x10: {  	[smem:$0x3FA6] =	sst s8  }
0x11: {  	[smem:$0x3FA7] =	sst s9;
	s0 =	simm.s32 @!p0 $0x0  }
0x12: {  	s1 =	sld [smem:$0x3F8D];
	s0 =	simm.s32 @p0 $0x1  }
0x13: {  	[smem:$0x3FA8] =	sst s0;
	s0 =	simm.s32 @!p1 $0x0  }
0x14: {  	s2 =	sld [smem:$0x3F8C];
	s0 =	simm.s32 @p1 $0x1  }
0x15: {  	[smem:$0x3FA9] =	sst s0;
	s0 =	simm.s32 @!p2 $0x0  }
0x16: {  	s3 =	sld [smem:$0x3FDB];
	s0 =	simm.s32 @p2 $0x1  }
0x17: {  	s4 =	simm.s32 $0x1BF5;
	[smem:$0x3FAB] =	sst s0  }
0x18: {  	s0 =	sld [smem:$0x3F8E];
	_ =	swait.ge [sflag:s4], $0x0  }
0x19: {  	s7 =	sld [smem:$0x3F8F]  }
0x1a: {  	s8 =	sadd.s32 $0xFFFFE003, lr  }
0x1b: {  	s9 =	sadd.s32 $0xFFFFFEF7, lr;
	s5 =	simm.s32 $0xFFFFFFFF;
	p2 =	slt.u32 s8, $0xFFFFF086  }
0x1c: {  	p1 =	slt.u32 s9, $0xF7A;
	s5 =	simm.s32 @!p2 $0x0  }
0x1d: {  	s5 =	simm.s32 @p1 $0x1;
	p0 =	seq.s32 s7, s2  }
0x1e: {  	s7 =	smul.u32 @!p0 $0xF7A, s2;
	p2 =	seq.s32 @!p0 s5, $0x0  }
0x1f: {  	s9 =	smul.u32 $0xF7A, s1;
	s8 =	simm.s32 @!p0 $0x1BF5;
	p2 =	por !p2, p0  }
0x20: {  	[sflag:s8] =	ssyncset.s32 @!p0 $0xFFFFF086;
	s6 =	sadd.s32 @!p0 s3, s7;
	s7 =	simm.s32 @!p0 $0x108  }
0x21: {  	s3 =	sadd.s32 s3, s9;
	s6 =	sadd.s32 @!p0 $0x88, s6;
	s7 =	simm.s32 @p2 $0x1082  }
0x22: {  	[simem:s7], [sflag:s8] =	dma.local @!p0 [hbm:s6], $0xF7A  }
0x23: {  	s9 =	sor.u32 $0xD0000000, s2;
	s6 =	simm.s32 $0x108;
	_ =	swait.ge @!p0 [sflag:s8], $0x0  }
0x24: {  	s3 =	sadd.s32 $0x88, s3;
	s6 =	simm.s32 @!p1 $0x1082;
	[sflag:s4] =	ssyncset.s32 $0xFFFFF086  }
0x25: {  	[simem:s6], [sflag:s4] =	dma.local [hbm:s3], $0xF7A  }
0x26: {  	[smem:$0x3F8F] =	sst s1;
	(tag) =	ssettag s2;
	_ =	strace s9  }
0x27: {  	s1 =	sld [smem:$0x3F9F]  }
0x28: {  	s2 =	sld [smem:$0x3FA0]  }
0x29: {  	s4 =	sld [smem:$0x3FA2]  }
0x2a: {  	p0 =	seq.s32 s5, $0x0;
	s5 =	sld [smem:$0x3FA3]  }
0x2b: {  	s6 =	sld [smem:$0x3FA4]  }
0x2c: {  	s7 =	sld [smem:$0x3FA5]  }
0x2d: {  	s3 =	simm.s32 $0x108;
	s8 =	sld [smem:$0x3FA6]  }
0x2e: {  	s3 =	simm.s32 @!p0 $0x1082;
	s9 =	sld [smem:$0x3FA7]  }
0x2f: {  	lr =	sadd.s32 s0, s3;
	s0 =	sld [smem:$0x3F9E]  }
0x30: {  	s3 =	sld [smem:$0x3FA1]  }
0x31: {  	[smem:$0x3FAA] =	sst s10  }
0x32: {  	s10 =	sld [smem:$0x3FA8];
	_ =	sdelay $0x3  }
0x33: {  	p0 =	seq.s32 s10, $0x1;
	s10 =	sld [smem:$0x3FAA];
	_ =	sdelay $0x3  }
0x34: {  	[smem:$0x3FAA] =	sst s10  }
0x35: {  	s10 =	sld [smem:$0x3FA9];
	_ =	sdelay $0x3  }
0x36: {  	p1 =	seq.s32 s10, $0x1;
	s10 =	sld [smem:$0x3FAA];
	_ =	sdelay $0x3  }
0x37: {  	[smem:$0x3FAA] =	sst s10  }
0x38: {  	s10 =	sld [smem:$0x3FAB]  }
0x39: {  	_ = 	snop;
	(pc) =	sbr.ind lr, $3  }
0x3a: {  	_ = 	snop  }
0x3b: {  	_ = 	snop  }
0x3c: {  	p2 =	seq.s32 s10, $0x1;
	s10 =	sld [smem:$0x3FAA]  }
0x3d: {  	_ =	shalt  }
0x3e: {  	_ =	shalt  }
0x3f: {  	_ =	shalt  }
0x40: {  	_ =	shalt  }
0x41: {  	_ =	shalt  }
0x42: {  	_ =	shalt  }
0x43: {  	_ =	shalt  }
0x44: {  	_ =	shalt  }
0x45: {  	_ =	shalt  }
0x46: {  	_ =	shalt  }
0x47: {  	_ =	shalt  }
0x48: {  	_ =	shalt  }
0x49: {  	_ =	shalt  }
0x4a: {  	_ =	shalt  }
0x4b: {  	_ =	shalt  }
0x4c: {  	_ =	shalt  }
0x4d: {  	_ =	shalt  }
0x4e: {  	_ =	shalt  }
0x4f: {  	_ =	shalt  }
0x50: {  	_ =	shalt  }
0x51: {  	_ =	shalt  }
0x52: {  	_ =	shalt  }
0x53: {  	_ =	shalt  }
0x54: {  	_ =	shalt  }
0x55: {  	_ =	shalt  }
0x56: {  	_ =	shalt  }
0x57: {  	_ =	shalt  }
0x58: {  	_ =	shalt  }
0x59: {  	_ =	shalt  }
0x5a: {  	_ =	shalt  }
0x5b: {  	_ =	shalt  }
0x5c: {  	_ =	shalt  }
0x5d: {  	_ =	shalt  }
0x5e: {  	_ =	shalt  }
0x5f: {  	_ =	shalt  }
0x60: {  	_ =	shalt  }
0x61: {  	_ =	shalt  }
0x62: {  	_ =	shalt  }
0x63: {  	_ =	shalt  }
0x64: {  	_ =	shalt  }
0x65: {  	_ =	shalt  }
0x66: {  	_ =	shalt  }
0x67: {  	_ =	shalt  }
0x68: {  	_ =	shalt  }
0x69: {  	_ =	shalt  }
0x6a: {  	_ =	shalt  }
0x6b: {  	_ =	shalt  }
0x6c: {  	_ =	shalt  }
0x6d: {  	_ =	shalt  }
0x6e: {  	_ =	shalt  }
0x6f: {  	_ =	shalt  }
0x70: {  	_ =	shalt  }
0x71: {  	_ =	shalt  }
0x72: {  	_ =	shalt  }
0x73: {  	_ =	shalt  }
0x74: {  	_ =	shalt  }
0x75: {  	_ =	shalt  }
0x76: {  	_ =	shalt  }
0x77: {  	_ =	shalt  }
0x78: {  	_ =	shalt  }
0x79: {  	_ =	shalt  }
0x7a: {  	_ =	shalt  }
0x7b: {  	_ =	shalt  }
0x7c: {  	_ =	shalt  }
0x7d: {  	_ =	shalt  }
0x7e: {  	_ =	shalt  }
0x7f: {  	_ =	shalt  }
0x80: {  	_ =	shalt  }
0x81: {  	_ =	shalt  }
0x82: {  	_ =	shalt  }
0x83: {  	_ =	shalt  }
0x84: {  	_ =	shalt  }
0x85: {  	_ =	shalt  }
0x86: {  	_ =	shalt  }
0x87: {  	_ =	shalt  }
.Lfunc_end0:
.L_simem_size_0:
called_computation_lowered:
.L_overlay_start_0:
0x88: {  	s2 =	sld [smem:$0x3FD9]  }
0x89: {  	s3 =	sld [smem:$0x3FFE];
	_ =	sdelay $0x1  }
0x8a: {  	s1 =	srdreg.scid  }
0x8b: {  	s0 =	sand.u32 $0x1, s1  }
0x8c: {  	s16 =	sshll.u32 s0, $0xA;
	s2 =	sadd.s32 s3, s2  }
0x8d: {  	s2 =	sadd.s32 s2, s16  }
0x8e: {  	[smem:$0x3FB6] =	sst s2  }
0x8f: {  	_ = 	snop  }
0x90: {  	(tm) =	ssettm $0x1  }
0x91: {  	s17 =	sld [smem:$0x3FFB];
	_ =	sdelay $0x3  }
0x92: {  	_ =	strace s17  }
0x93: {  	s2 =	sld [smem:$0x3FFC];
	_ =	sdelay $0x3  }
0x94: {  	_ =	strace s2  }
0x95: {  	s2 =	sld [smem:$0x3FFD];
	_ =	sdelay $0x3  }
0x96: {  	_ =	strace s2  }
0x97: {  	_ =	strace $0x8FFFFFFF  }
0x98: {  	s18 =	sld [smem:$0x3FDB];
	_ =	sdelay $0x1  }
0x99: {  	s19 =	simm.s32 $_scs_section_size  }
0x9a: {  	s4 =	simm.s32 $_size__tile_overlayer_lowered;
	s5 =	simm.s32 $_tile_overlayer_lowered  }
0x9b: {  	s22 =	simm.s32 $0x1BFF;
	s21 =	sshll.u32 s5, $0x1;
	s2 =	sadd.s32 s19, s18  }
0x9c: {  	s6 =	simm.s32 $0x0;
	s20 =	sshll.u32 s4, $0x1;
	s4 =	sadd.s32 s21, s2  }
0x9d: {  	[timem:s6], [sflag:s22] =	dma.local [hbm:s4], s20  }
0x9e: {  	_ =	swait.ge [sflag:s22], s20  }
0x9f: {  	s3 =	ssub.s32 $0x0, s20;
	[sflag:s22] =	ssyncset.done $0x0  }
0xa0: {  	[sflag:s22] =	ssyncadd.s32 s3;
	_ =	sdelay $0x1  }
0xa1: {  	s23 =	simm.s32 $0x1B8B  }
0xa2: {  	_ =	swait.ge [sflag:s23], $0x1  }
0xa3: {  	[sflag:s23] =	ssyncset.done $0x0  }
0xa4: {  	s25 =	simm.s32 $0x1B8E;
	s24 =	sld [smem:$0x3FFE];
	[sflag:s23] =	ssyncadd.s32 $0xFFFFFFFF  }
0xa5: {  	s26 =	simm.s32 $execute0_lowered;
	[smem:$0x3FD2] =	sst s25  }
0xa6: {  	s4 =	sshll.u32 s26, $0x1;
	_ =	strace $0x80000046;
	[dreg:$0x1] =	wrdreg $0xFFFFFFFF  }
0xa7: {  	s28 =	simm.s32 $_size_execute0_lowered;
	s2 =	sadd.s32 s2, s4;
	[dreg:$0x0] =	wrdreg $0x0  }
0xa8: {  	s4 =	sshll.u32 s28, $0x1;
	[dreg:$0x2] =	wrdreg s2  }
0xa9: {  	[dreg:$0x3] =	wrdreg s4  }
0xaa: {  	[dreg:$0x4] =	wrdreg $0xC0  }
0xab: {  	_ =	task [dreg:s6], $0x5FFFF  }
0xac: {  	[dreg:$0x1] =	wrdreg $0xFFFFFFFF  }
0xad: {  	[dreg:$0x0] =	wrdreg $0x60  }
0xae: {  	[dreg:$0x2] =	wrdreg s24  }
0xaf: {  	[dreg:$0x3] =	wrdreg $0x9  }
0xb0: {  	_ =	task.clear_ibuf [dreg:s6], $0x4FFFF;
	_ =	strace $0x90000046  }
0xb1: {  	s29 =	simm.s32 $0x9;
	_ =	strace $0x80000048  }
0xb2: {  	_ =	swait.ge [sflag:s29], $0x1  }
0xb3: {  	[sflag:s29] =	ssyncadd.s32 $0xFFFFFFFF  }
0xb4: {  	_ =	strace $0x90000048  }
0xb5: {  	_ =	sfence  }
0xb6: {  	s30 =	sld [smem:$0x0];
	_ =	sdelay $0x2  }
0xb7: {  	s31 =	sshll.u32 s1, $0xD;
	s1 =	sshrl.u32 s1, $0x2  }
0xb8: {  	s3 =	sand.u32 $0x4000, s31;
	s1 =	sadd.s32 s1, s30  }
0xb9: {  	s0 =	sor.u32 s3, s0;
	s1 =	sshll.u32 s1, $0x11  }
0xba: {  	s0 =	sor.u32 s1, s0  }
0xbb: {  	s0 =	sadd.s32 $0x8F2B, s0  }
0xbc: {  	[sflag:s0] =	ssyncadd.remote.s32 $0x1  }
0xbd: {  	_ =	sfence.sel $0xFFFF  }
0xbe: {  	[dreg:$0x0] =	wrdreg $0xFFFFFFFF;
	(pc) =	sbr.abs _section_cstart, $3  }
0xbf: {  	[dreg:$0x1] =	wrdreg $0xFFFFFFFF  }
0xc0: {  	_ =	task.clear_ibuf [dreg:s6], $0x2FFFF;
	_ =	strace $0x9FFFFFFF  }
0xc1: {  	(tm) =	ssettm $0x7FFFFFFF  }
tec
execute0_lowered:
.L_overlay_start_1:
0x0: {  	(tag) =	ssettag $0x1  }
0x1: {  	s1 =	srdreg.scid  }
0x2: {  	s0 =	stileid.u32;
	s2 =	rddreg [dreg:$0x0]  }
0x3: {  	s10 =	simm.s32 $0x0;
	s13 =	simm.s32 $0x280;
	s15 =	simm.s32 $0x2500  }
0x4: {  	s16 =	simm.s32 $0x100;
	s17 =	simm.s32 $0x4500;
	s18 =	simm.s32 $0x180  }
0x5: {  	s19 =	simm.s32 $0x6500;
	s20 =	simm.s32 $0x200;
	s21 =	simm.s32 $0x8500  }
0x6: {  	s7 =	simm.s32 $0xA500;
	s22 =	simm.s32 $0x300;
	s23 =	simm.s32 $0xC500  }
0x7: {  	s24 =	simm.s32 $0x380;
	s25 =	simm.s32 $0xE500;
	s26 =	simm.s32 $0x400  }
0x8: {  	p0 =	por $0x0, $0x0;
	s1 =	sand.u32 $0x1, s1;
	s3 =	sshll.u32 s0, $0x1  }
0x9: {  	s28 =	simm.s32 $0x10500;
	s3 =	sor.u32 s1, s3;
	s1 =	ssub.s32 $0x2, s1  }
0xa: {  	s29 =	simm.s32 $0x480;
	s30 =	simm.s32 $0x12500;
	s5 =	sshrl.u32 s1, $0x1  }
0xb: {  	s11 =	simm.s32 $0x1;
	s9 =	simm.s32 $0x40;
	s1 =	ssub.s32 s1, s5  }
0xc: {  	[smem:$0x7FF] =	sst s10;
	s4 =	smul.u32 $0x50, s3;
	s1 =	smax.u32 s1, $0x1  }
0xd: {  	s12 =	sadd.s32 $0x18BA00, s2;
	s3 =	smul.u32 $0x2800, s3;
	p1 =	sne.s32 s1, $0x1  }
.Ltmp0:
0xe: {  	s8 =	sadd.s32 $0x24F000, s2;
	_ =	strace $0x80000047;
	(pc) =	sbr.rel @!p1 .LBB2_3-.Ltmp0, $4  }
0xf: {  	s5 =	simm.s32 $0x80;
	s4 =	sadd.s32 s4, s2;
	s2 =	sadd.s32 s3, s2  }
0x10: {  	s6 =	sadd.s32 $0x5A00, s4;
	s14 =	sadd.s32 $0x5000, s4;
	s4 =	sadd.s32 $0x6400, s2  }
0x11: {  	s3 =	sadd.s32 $0x56400, s2;
	s2 =	simm.s32 $0x2;
	[dreg:$0x2] =	wrdreg s6  }
0x12: {  	s31 =	sadd.s32 $0xFFFFFFFF, s1;
	s6 =	simm.s32 $0x500;
	s1 =	rddreg [dreg:$0x2]  }
0x13: {  	[tilespmem:s10], [sflag:$0x2] =	stream.linear.gather [hbm4b:s1+s10], $0x280, $0x38;
	[tilespmem:$0x14500] =	vst v63  }
0x14: {  	_ =	swait.ge [sflag:s2], $0x280  }
0x15: {  	[sflag:s2] =	ssyncset.done $0x0  }
0x16: {  	[sflag:s2] =	ssyncadd.s32 $0xFFFFFD80  }
0x17: {  	[tilespmem:s13], [sflag:$0x2] =	stream.linear.gather [hbm4b:s14+s10], $0x280, $0x38;
	[tilespmem:$0x14500] =	vst v63  }
0x18: {  	_ =	swait.ge [sflag:s2], $0x280  }
0x19: {  	[sflag:s2] =	ssyncset.done $0x0  }
0x1a: {  	[sflag:s2] =	ssyncadd.s32 $0xFFFFFD80  }
0x1b: {  	[tilespmem:s6], [sflag:$0x1] =	stream.indirect.gather [hbm4b:s12+s5], $0x40, s10, s5, $0xb8;
	[tilespmem:$0x14500] =	vst v63  }
0x1c: {  	_ = 	snop  }
0x1d: {  	[tilespmem:s15], [sflag:$0x1] =	stream.indirect.gather [hbm4b:s12+s5], $0x40, s5, s5, $0xb8;
	[tilespmem:$0x14500] =	vst v63  }
0x1e: {  	_ = 	snop  }
0x1f: {  	[tilespmem:s17], [sflag:$0x1] =	stream.indirect.gather [hbm4b:s12+s5], $0x40, s16, s5, $0xb8;
	[tilespmem:$0x14500] =	vst v63  }
0x20: {  	_ = 	snop  }
0x21: {  	[tilespmem:s19], [sflag:$0x1] =	stream.indirect.gather [hbm4b:s12+s5], $0x40, s18, s5, $0xb8;
	[tilespmem:$0x14500] =	vst v63  }
0x22: {  	_ = 	snop  }
0x23: {  	[tilespmem:s21], [sflag:$0x1] =	stream.indirect.gather [hbm4b:s12+s5], $0x40, s20, s5, $0xb8;
	[tilespmem:$0x14500] =	vst v63  }
0x24: {  	_ = 	snop  }
0x25: {  	[tilespmem:s7], [sflag:$0x1] =	stream.indirect.gather [hbm4b:s8+s5], $0x40, s13, s5, $0xb8;
	[tilespmem:$0x14500] =	vst v63  }
0x26: {  	_ = 	snop  }
0x27: {  	[tilespmem:s23], [sflag:$0x1] =	stream.indirect.gather [hbm4b:s8+s5], $0x40, s22, s5, $0xb8;
	[tilespmem:$0x14500] =	vst v63  }
0x28: {  	_ = 	snop  }
0x29: {  	[tilespmem:s25], [sflag:$0x1] =	stream.indirect.gather [hbm4b:s8+s5], $0x40, s24, s5, $0xb8;
	[tilespmem:$0x14500] =	vst v63  }
0x2a: {  	_ = 	snop  }
0x2b: {  	[tilespmem:s28], [sflag:$0x1] =	stream.indirect.gather [hbm4b:s8+s5], $0x40, s26, s5, $0xb8;
	[tilespmem:$0x14500] =	vst v63  }
0x2c: {  	_ = 	snop  }
0x2d: {  	[tilespmem:s30], [sflag:$0x1] =	stream.indirect.gather [hbm4b:s8+s5], $0x40, s29, s5, $0xb8;
	[tilespmem:$0x14500] =	vst v63  }
0x2e: {  	_ =	swait.ge [sflag:s11], $0x2000  }
0x2f: {  	[sflag:s11] =	ssyncset.done $0x0  }
0x30: {  	[sflag:s11] =	ssyncadd.s32 $0xFFFFE000  }
0x31: {  	_ =	swait.ge [sflag:s11], $0x2000  }
0x32: {  	[sflag:s11] =	ssyncset.done $0x0  }
0x33: {  	[sflag:s11] =	ssyncadd.s32 $0xFFFFE000  }
0x34: {  	_ =	swait.ge [sflag:s11], $0x2000  }
0x35: {  	[sflag:s11] =	ssyncset.done $0x0  }
0x36: {  	[sflag:s11] =	ssyncadd.s32 $0xFFFFE000  }
0x37: {  	_ =	swait.ge [sflag:s11], $0x2000  }
0x38: {  	[sflag:s11] =	ssyncset.done $0x0  }
0x39: {  	[sflag:s11] =	ssyncadd.s32 $0xFFFFE000  }
0x3a: {  	_ =	swait.ge [sflag:s11], $0x2000  }
0x3b: {  	[sflag:s11] =	ssyncset.done $0x0  }
0x3c: {  	[sflag:s11] =	ssyncadd.s32 $0xFFFFE000  }
0x3d: {  	_ =	swait.ge [sflag:s11], $0x2000  }
0x3e: {  	[sflag:s11] =	ssyncset.done $0x0  }
0x3f: {  	[sflag:s11] =	ssyncadd.s32 $0xFFFFE000  }
0x40: {  	_ =	swait.ge [sflag:s11], $0x2000  }
0x41: {  	[sflag:s11] =	ssyncset.done $0x0  }
0x42: {  	[sflag:s11] =	ssyncadd.s32 $0xFFFFE000  }
0x43: {  	_ =	swait.ge [sflag:s11], $0x2000  }
0x44: {  	[sflag:s11] =	ssyncset.done $0x0  }
0x45: {  	[sflag:s11] =	ssyncadd.s32 $0xFFFFE000  }
0x46: {  	_ =	swait.ge [sflag:s11], $0x2000  }
0x47: {  	[sflag:s11] =	ssyncset.done $0x0  }
0x48: {  	[sflag:s11] =	ssyncadd.s32 $0xFFFFE000  }
0x49: {  	_ =	swait.ge [sflag:s11], $0x2000  }
0x4a: {  	[sflag:s11] =	ssyncset.done $0x0  }
0x4b: {  	[sflag:s11] =	ssyncadd.s32 $0xFFFFE000  }
0x4c: {  	[hbm4b:s4+s9] =	stream.strided.scatter [tilespmem:s6], [sflag:$0x2], $0xA000, s5, s9, $0x38;
	[tilespmem:$0x14500] =	vst v63  }
0x4d: {  	p1 =	sne.s32 s31, $0x1;
	_ =	swait.ge [sflag:s2], $0xA000  }
.Ltmp1:
0x4e: {  	[sflag:s2] =	ssyncset.done $0x0;
	(pc) =	sbr.rel @!p1 .LBB2_3-.Ltmp1, $4  }
0x4f: {  	[sflag:s2] =	ssyncadd.s32 $0xFFFF6000  }
0x50: {  	[hbm4b:s3+s9] =	stream.strided.scatter [tilespmem:s7], [sflag:$0x2], $0xA000, s5, s9, $0x38;
	[tilespmem:$0x14500] =	vst v63  }
0x51: {  	s31 =	sadd.s32 $0xFFFFFFFF, s31;
	_ =	swait.ge [sflag:s2], $0xA000  }
0x52: {  	p0 =	por $0x1, $0x1;
	s1 =	rddreg [dreg:$0x2];
	[sflag:s2] =	ssyncset.done $0x0  }
.LBB2_2:
0x53: {  	[sflag:s2] =	ssyncadd.s32 $0xFFFF6000  }
0x54: {  	[tilespmem:s10], [sflag:$0x2] =	stream.linear.gather [hbm4b:s1+s10], $0x280, $0x38;
	[tilespmem:$0x14500] =	vst v63  }
0x55: {  	_ =	swait.ge [sflag:s2], $0x280  }
0x56: {  	[sflag:s2] =	ssyncset.done $0x0  }
0x57: {  	[sflag:s2] =	ssyncadd.s32 $0xFFFFFD80  }
0x58: {  	[tilespmem:s13], [sflag:$0x2] =	stream.linear.gather [hbm4b:s14+s10], $0x280, $0x38;
	[tilespmem:$0x14500] =	vst v63  }
0x59: {  	_ =	swait.ge [sflag:s2], $0x280  }
0x5a: {  	[sflag:s2] =	ssyncset.done $0x0  }
0x5b: {  	[sflag:s2] =	ssyncadd.s32 $0xFFFFFD80  }
0x5c: {  	[tilespmem:s6], [sflag:$0x1] =	stream.indirect.gather [hbm4b:s12+s5], $0x40, s10, s5, $0xb8;
	[tilespmem:$0x14500] =	vst v63  }
0x5d: {  	_ = 	snop  }
0x5e: {  	[tilespmem:s15], [sflag:$0x1] =	stream.indirect.gather [hbm4b:s12+s5], $0x40, s5, s5, $0xb8;
	[tilespmem:$0x14500] =	vst v63  }
0x5f: {  	_ = 	snop  }
0x60: {  	[tilespmem:s17], [sflag:$0x1] =	stream.indirect.gather [hbm4b:s12+s5], $0x40, s16, s5, $0xb8;
	[tilespmem:$0x14500] =	vst v63  }
0x61: {  	_ = 	snop  }
0x62: {  	[tilespmem:s19], [sflag:$0x1] =	stream.indirect.gather [hbm4b:s12+s5], $0x40, s18, s5, $0xb8;
	[tilespmem:$0x14500] =	vst v63  }
0x63: {  	_ = 	snop  }
0x64: {  	[tilespmem:s21], [sflag:$0x1] =	stream.indirect.gather [hbm4b:s12+s5], $0x40, s20, s5, $0xb8;
	[tilespmem:$0x14500] =	vst v63  }
0x65: {  	_ = 	snop  }
0x66: {  	[tilespmem:s7], [sflag:$0x1] =	stream.indirect.gather [hbm4b:s8+s5], $0x40, s13, s5, $0xb8;
	[tilespmem:$0x14500] =	vst v63  }
0x67: {  	_ = 	snop  }
0x68: {  	[tilespmem:s23], [sflag:$0x1] =	stream.indirect.gather [hbm4b:s8+s5], $0x40, s22, s5, $0xb8;
	[tilespmem:$0x14500] =	vst v63  }
0x69: {  	_ = 	snop  }
0x6a: {  	[tilespmem:s25], [sflag:$0x1] =	stream.indirect.gather [hbm4b:s8+s5], $0x40, s24, s5, $0xb8;
	[tilespmem:$0x14500] =	vst v63  }
0x6b: {  	_ = 	snop  }
0x6c: {  	[tilespmem:s28], [sflag:$0x1] =	stream.indirect.gather [hbm4b:s8+s5], $0x40, s26, s5, $0xb8;
	[tilespmem:$0x14500] =	vst v63  }
0x6d: {  	_ = 	snop  }
0x6e: {  	[tilespmem:s30], [sflag:$0x1] =	stream.indirect.gather [hbm4b:s8+s5], $0x40, s29, s5, $0xb8;
	[tilespmem:$0x14500] =	vst v63  }
0x6f: {  	_ =	swait.ge [sflag:s11], $0x2000  }
0x70: {  	[sflag:s11] =	ssyncset.done $0x0  }
0x71: {  	[sflag:s11] =	ssyncadd.s32 $0xFFFFE000  }
0x72: {  	_ =	swait.ge [sflag:s11], $0x2000  }
0x73: {  	[sflag:s11] =	ssyncset.done $0x0  }
0x74: {  	[sflag:s11] =	ssyncadd.s32 $0xFFFFE000  }
0x75: {  	_ =	swait.ge [sflag:s11], $0x2000  }
0x76: {  	[sflag:s11] =	ssyncset.done $0x0  }
0x77: {  	[sflag:s11] =	ssyncadd.s32 $0xFFFFE000  }
0x78: {  	_ =	swait.ge [sflag:s11], $0x2000  }
0x79: {  	[sflag:s11] =	ssyncset.done $0x0  }
0x7a: {  	[sflag:s11] =	ssyncadd.s32 $0xFFFFE000  }
0x7b: {  	_ =	swait.ge [sflag:s11], $0x2000  }
0x7c: {  	[sflag:s11] =	ssyncset.done $0x0  }
0x7d: {  	[sflag:s11] =	ssyncadd.s32 $0xFFFFE000  }
0x7e: {  	_ =	swait.ge [sflag:s11], $0x2000  }
0x7f: {  	[sflag:s11] =	ssyncset.done $0x0  }
0x80: {  	[sflag:s11] =	ssyncadd.s32 $0xFFFFE000  }
0x81: {  	_ =	swait.ge [sflag:s11], $0x2000  }
0x82: {  	[sflag:s11] =	ssyncset.done $0x0  }
0x83: {  	[sflag:s11] =	ssyncadd.s32 $0xFFFFE000  }
0x84: {  	_ =	swait.ge [sflag:s11], $0x2000  }
0x85: {  	[sflag:s11] =	ssyncset.done $0x0  }
0x86: {  	[sflag:s11] =	ssyncadd.s32 $0xFFFFE000  }
0x87: {  	_ =	swait.ge [sflag:s11], $0x2000  }
0x88: {  	[sflag:s11] =	ssyncset.done $0x0  }
0x89: {  	[sflag:s11] =	ssyncadd.s32 $0xFFFFE000  }
0x8a: {  	_ =	swait.ge [sflag:s11], $0x2000  }
0x8b: {  	[sflag:s11] =	ssyncset.done $0x0  }
0x8c: {  	[sflag:s11] =	ssyncadd.s32 $0xFFFFE000  }
0x8d: {  	[hbm4b:s4+s9] =	stream.strided.scatter [tilespmem:s6], [sflag:$0x2], $0xA000, s5, s9, $0x38;
	[tilespmem:$0x14500] =	vst v63  }
0x8e: {  	p1 =	sne.s32 s31, $0x1;
	_ =	swait.ge [sflag:s2], $0xA000  }
.Ltmp2:
0x8f: {  	[sflag:s2] =	ssyncset.done $0x0;
	(pc) =	sbr.rel @p1 .LBB2_2-.Ltmp2, $4  }
0x90: {  	[sflag:s2] =	ssyncadd.s32 $0xFFFF6000  }
0x91: {  	[hbm4b:s3+s9] =	stream.strided.scatter [tilespmem:s7], [sflag:$0x2], $0xA000, s5, s9, $0x38;
	[tilespmem:$0x14500] =	vst v63  }
0x92: {  	_ =	swait.ge [sflag:s2], $0xA000  }
0x93: {  	s31 =	sadd.s32 $0xFFFFFFFF, s31;
	s1 =	rddreg [dreg:$0x2];
	[sflag:s2] =	ssyncset.done $0x0  }
.LBB2_3:
0x94: {  	[sflag:s2] =	ssyncadd.s32 @p0 $0xFFFF6000  }
0x95: {  	[tilespmem:s10], [sflag:$0x2] =	stream.linear.gather [hbm4b:s1+s10], $0x280, $0x38;
	[tilespmem:$0x14500] =	vst v63  }
0x96: {  	_ =	swait.ge [sflag:s2], $0x280  }
0x97: {  	[sflag:s2] =	ssyncset.done $0x0  }
0x98: {  	[sflag:s2] =	ssyncadd.s32 $0xFFFFFD80  }
0x99: {  	[tilespmem:s13], [sflag:$0x2] =	stream.linear.gather [hbm4b:s14+s10], $0x280, $0x38;
	[tilespmem:$0x14500] =	vst v63  }
0x9a: {  	_ =	swait.ge [sflag:s2], $0x280  }
0x9b: {  	[sflag:s2] =	ssyncset.done $0x0  }
0x9c: {  	[sflag:s2] =	ssyncadd.s32 $0xFFFFFD80  }
0x9d: {  	[tilespmem:s6], [sflag:$0x1] =	stream.indirect.gather [hbm4b:s12+s5], $0x40, s10, s5, $0xb8;
	[tilespmem:$0x14500] =	vst v63  }
0x9e: {  	_ = 	snop  }
0x9f: {  	[tilespmem:s15], [sflag:$0x1] =	stream.indirect.gather [hbm4b:s12+s5], $0x40, s5, s5, $0xb8;
	[tilespmem:$0x14500] =	vst v63  }
0xa0: {  	_ = 	snop  }
0xa1: {  	[tilespmem:s17], [sflag:$0x1] =	stream.indirect.gather [hbm4b:s12+s5], $0x40, s16, s5, $0xb8;
	[tilespmem:$0x14500] =	vst v63  }
0xa2: {  	_ = 	snop  }
0xa3: {  	[tilespmem:s19], [sflag:$0x1] =	stream.indirect.gather [hbm4b:s12+s5], $0x40, s18, s5, $0xb8;
	[tilespmem:$0x14500] =	vst v63  }
0xa4: {  	_ = 	snop  }
0xa5: {  	[tilespmem:s21], [sflag:$0x1] =	stream.indirect.gather [hbm4b:s12+s5], $0x40, s20, s5, $0xb8;
	[tilespmem:$0x14500] =	vst v63  }
0xa6: {  	_ = 	snop  }
0xa7: {  	[tilespmem:s7], [sflag:$0x1] =	stream.indirect.gather [hbm4b:s8+s5], $0x40, s13, s5, $0xb8;
	[tilespmem:$0x14500] =	vst v63  }
0xa8: {  	_ = 	snop  }
0xa9: {  	[tilespmem:s23], [sflag:$0x1] =	stream.indirect.gather [hbm4b:s8+s5], $0x40, s22, s5, $0xb8;
	[tilespmem:$0x14500] =	vst v63  }
0xaa: {  	_ = 	snop  }
0xab: {  	[tilespmem:s25], [sflag:$0x1] =	stream.indirect.gather [hbm4b:s8+s5], $0x40, s24, s5, $0xb8;
	[tilespmem:$0x14500] =	vst v63  }
0xac: {  	_ = 	snop  }
0xad: {  	[tilespmem:s28], [sflag:$0x1] =	stream.indirect.gather [hbm4b:s8+s5], $0x40, s26, s5, $0xb8;
	[tilespmem:$0x14500] =	vst v63  }
0xae: {  	_ = 	snop  }
0xaf: {  	[tilespmem:s30], [sflag:$0x1] =	stream.indirect.gather [hbm4b:s8+s5], $0x40, s29, s5, $0xb8;
	[tilespmem:$0x14500] =	vst v63  }
0xb0: {  	_ =	swait.ge [sflag:s11], $0x2000  }
0xb1: {  	[sflag:s11] =	ssyncset.done $0x0  }
0xb2: {  	[sflag:s11] =	ssyncadd.s32 $0xFFFFE000  }
0xb3: {  	_ =	swait.ge [sflag:s11], $0x2000  }
0xb4: {  	[sflag:s11] =	ssyncset.done $0x0  }
0xb5: {  	[sflag:s11] =	ssyncadd.s32 $0xFFFFE000  }
0xb6: {  	_ =	swait.ge [sflag:s11], $0x2000  }
0xb7: {  	[sflag:s11] =	ssyncset.done $0x0  }
0xb8: {  	[sflag:s11] =	ssyncadd.s32 $0xFFFFE000  }
0xb9: {  	_ =	swait.ge [sflag:s11], $0x2000  }
0xba: {  	[sflag:s11] =	ssyncset.done $0x0  }
0xbb: {  	[sflag:s11] =	ssyncadd.s32 $0xFFFFE000  }
0xbc: {  	_ =	swait.ge [sflag:s11], $0x2000  }
0xbd: {  	[sflag:s11] =	ssyncset.done $0x0  }
0xbe: {  	[sflag:s11] =	ssyncadd.s32 $0xFFFFE000  }
0xbf: {  	_ =	swait.ge [sflag:s11], $0x2000  }
0xc0: {  	[sflag:s11] =	ssyncset.done $0x0  }
0xc1: {  	[sflag:s11] =	ssyncadd.s32 $0xFFFFE000  }
0xc2: {  	_ =	swait.ge [sflag:s11], $0x2000  }
0xc3: {  	[sflag:s11] =	ssyncset.done $0x0  }
0xc4: {  	[sflag:s11] =	ssyncadd.s32 $0xFFFFE000  }
0xc5: {  	_ =	swait.ge [sflag:s11], $0x2000  }
0xc6: {  	[sflag:s11] =	ssyncset.done $0x0  }
0xc7: {  	[sflag:s11] =	ssyncadd.s32 $0xFFFFE000  }
0xc8: {  	_ =	swait.ge [sflag:s11], $0x2000  }
0xc9: {  	[sflag:s11] =	ssyncset.done $0x0  }
0xca: {  	[sflag:s11] =	ssyncadd.s32 $0xFFFFE000  }
0xcb: {  	_ =	swait.ge [sflag:s11], $0x2000  }
0xcc: {  	[sflag:s11] =	ssyncset.done $0x0  }
0xcd: {  	[sflag:s11] =	ssyncadd.s32 $0xFFFFE000  }
0xce: {  	[hbm4b:s4+s9] =	stream.strided.scatter [tilespmem:s6], [sflag:$0x2], $0xA000, s5, s9, $0x38;
	[tilespmem:$0x14500] =	vst v63  }
0xcf: {  	_ =	swait.ge [sflag:s2], $0xA000  }
0xd0: {  	[sflag:s2] =	ssyncset.done $0x0  }
0xd1: {  	[sflag:s2] =	ssyncadd.s32 $0xFFFF6000  }
0xd2: {  	[hbm4b:s3+s9] =	stream.strided.scatter [tilespmem:s7], [sflag:$0x2], $0xA000, s5, s9, $0x38;
	[tilespmem:$0x14500] =	vst v63  }
0xd3: {  	_ =	swait.ge [sflag:s2], $0xA000  }
0xd4: {  	[sflag:s2] =	ssyncset.done $0x0  }
0xd5: {  	[sflag:s2] =	ssyncadd.s32 $0xFFFF6000  }
0xd6: {  	_ =	sfence.sel $0x180000  }
0xd7: {  	[bflag:$0x0] =	sbarrier.arrive $0xFFFF  }
0xd8: {  	_ =	strace $0x90000047  }
0xd9: {  	[bflag:$0x2] =	sbarrier.arrive $0xFFFF  }
0xda: {  	p0 =	sne.s32 s0, $0x0;
	s0 =	rddreg [dreg:$0x1]  }
0xdb: {  	s0 =	sadd.s32 @!p0 $0x100000, s0  }
0xdc: {  	[sflag:s0] =	ssyncadd.tile.s32 @!p0 $0x1;
	_ =	shalt  }
.Lfunc_end2:
_tile_overlayer_lowered:
.L_overlay_start_2:
0xdd: {  	(tag) =	ssettag $0x2  }
0xde: {  	s0 =	rddreg [dreg:$0x0];
	s2 =	stileid.u32  }
0xdf: {  	s1 =	rddreg [dreg:$0x1];
	p0 =	sne.s32 s2, $0x0  }
0xe0: {  	s3 =	rddreg [dreg:$0x2];
	[bflag:$0x3] =	sbarrier.arrive $0xFFFF;
	s2 =	simm.s32 @!p0 $0x1C02  }
0xe1: {  	[timem:s3], [sflag:s2] =	dma.local @!p0 [hbm:s0], s1  }
0xe2: {  	s0 =	simm.s32 @!p0 $0x2  }
0xe3: {  	_ =	swait.ge @!p0 [sflag:s0], s1  }
0xe4: {  	s1 =	ssub.s32 @!p0 $0x0, s1;
	[sflag:s0] =	ssyncset.done @!p0 $0x0  }
0xe5: {  	[sflag:s0] =	ssyncadd.s32 @!p0 s1  }
0xe6: {  	[bflag:$0x3] =	sbarrier.arrive $0xFFFF  }
0xe7: {  	_ =	shalt  }

// kernel: kernel.9.cloned.1.call-start
scs
__scs_entry_jumppad:
0x0: {  	(pc) =	sbr.rel $0x88, $3  }
0x1: {  	(tag) =	ssettag $0x0;
	lr =	simm.s32 $0x1  }
0x2: {  	[smem:$0x3F8F] =	sst lr;
	_ =	strace $0xD0000000  }
0x3: {  	_ = 	snop  }
0x4: {  	_ = 	snop  }
0x5: {  	_ = 	snop  }
0x6: {  	_ = 	snop  }
0x7: {  	_ = 	snop  }
__scs_overlays_trampoline_lowered:
0x8: {  	[smem:$0x3F9E] =	sst s0  }
0x9: {  	[smem:$0x3F9F] =	sst s1  }
0xa: {  	[smem:$0x3FA0] =	sst s2  }
0xb: {  	[smem:$0x3FA1] =	sst s3  }
0xc: {  	[smem:$0x3FA2] =	sst s4  }
0xd: {  	[smem:$0x3FA3] =	sst s5  }
0xe: {  	[smem:$0x3FA4] =	sst s6  }
0xf: {  	[smem:$0x3FA5] =	sst s7  }
0x10: {  	[smem:$0x3FA6] =	sst s8  }
0x11: {  	[smem:$0x3FA7] =	sst s9;
	s0 =	simm.s32 @!p0 $0x0  }
0x12: {  	s1 =	sld [smem:$0x3F8D];
	s0 =	simm.s32 @p0 $0x1  }
0x13: {  	[smem:$0x3FA8] =	sst s0;
	s0 =	simm.s32 @!p1 $0x0  }
0x14: {  	s2 =	sld [smem:$0x3F8C];
	s0 =	simm.s32 @p1 $0x1  }
0x15: {  	[smem:$0x3FA9] =	sst s0;
	s0 =	simm.s32 @!p2 $0x0  }
0x16: {  	s3 =	sld [smem:$0x3FDB];
	s0 =	simm.s32 @p2 $0x1  }
0x17: {  	s4 =	simm.s32 $0x1BF5;
	[smem:$0x3FAB] =	sst s0  }
0x18: {  	s0 =	sld [smem:$0x3F8E];
	_ =	swait.ge [sflag:s4], $0x0  }
0x19: {  	s7 =	sld [smem:$0x3F8F]  }
0x1a: {  	s8 =	sadd.s32 $0xFFFFE003, lr  }
0x1b: {  	s9 =	sadd.s32 $0xFFFFFEF7, lr;
	s5 =	simm.s32 $0xFFFFFFFF;
	p2 =	slt.u32 s8, $0xFFFFF086  }
0x1c: {  	p1 =	slt.u32 s9, $0xF7A;
	s5 =	simm.s32 @!p2 $0x0  }
0x1d: {  	s5 =	simm.s32 @p1 $0x1;
	p0 =	seq.s32 s7, s2  }
0x1e: {  	s7 =	smul.u32 @!p0 $0xF7A, s2;
	p2 =	seq.s32 @!p0 s5, $0x0  }
0x1f: {  	s9 =	smul.u32 $0xF7A, s1;
	s8 =	simm.s32 @!p0 $0x1BF5;
	p2 =	por !p2, p0  }
0x20: {  	[sflag:s8] =	ssyncset.s32 @!p0 $0xFFFFF086;
	s6 =	sadd.s32 @!p0 s3, s7;
	s7 =	simm.s32 @!p0 $0x108  }
0x21: {  	s3 =	sadd.s32 s3, s9;
	s6 =	sadd.s32 @!p0 $0x88, s6;
	s7 =	simm.s32 @p2 $0x1082  }
0x22: {  	[simem:s7], [sflag:s8] =	dma.local @!p0 [hbm:s6], $0xF7A  }
0x23: {  	s9 =	sor.u32 $0xD0000000, s2;
	s6 =	simm.s32 $0x108;
	_ =	swait.ge @!p0 [sflag:s8], $0x0  }
0x24: {  	s3 =	sadd.s32 $0x88, s3;
	s6 =	simm.s32 @!p1 $0x1082;
	[sflag:s4] =	ssyncset.s32 $0xFFFFF086  }
0x25: {  	[simem:s6], [sflag:s4] =	dma.local [hbm:s3], $0xF7A  }
0x26: {  	[smem:$0x3F8F] =	sst s1;
	(tag) =	ssettag s2;
	_ =	strace s9  }
0x27: {  	s1 =	sld [smem:$0x3F9F]  }
0x28: {  	s2 =	sld [smem:$0x3FA0]  }
0x29: {  	s4 =	sld [smem:$0x3FA2]  }
0x2a: {  	p0 =	seq.s32 s5, $0x0;
	s5 =	sld [smem:$0x3FA3]  }
0x2b: {  	s6 =	sld [smem:$0x3FA4]  }
0x2c: {  	s7 =	sld [smem:$0x3FA5]  }
0x2d: {  	s3 =	simm.s32 $0x108;
	s8 =	sld [smem:$0x3FA6]  }
0x2e: {  	s3 =	simm.s32 @!p0 $0x1082;
	s9 =	sld [smem:$0x3FA7]  }
0x2f: {  	lr =	sadd.s32 s0, s3;
	s0 =	sld [smem:$0x3F9E]  }
0x30: {  	s3 =	sld [smem:$0x3FA1]  }
0x31: {  	[smem:$0x3FAA] =	sst s10  }
0x32: {  	s10 =	sld [smem:$0x3FA8];
	_ =	sdelay $0x3  }
0x33: {  	p0 =	seq.s32 s10, $0x1;
	s10 =	sld [smem:$0x3FAA];
	_ =	sdelay $0x3  }
0x34: {  	[smem:$0x3FAA] =	sst s10  }
0x35: {  	s10 =	sld [smem:$0x3FA9];
	_ =	sdelay $0x3  }
0x36: {  	p1 =	seq.s32 s10, $0x1;
	s10 =	sld [smem:$0x3FAA];
	_ =	sdelay $0x3  }
0x37: {  	[smem:$0x3FAA] =	sst s10  }
0x38: {  	s10 =	sld [smem:$0x3FAB]  }
0x39: {  	_ = 	snop;
	(pc) =	sbr.ind lr, $3  }
0x3a: {  	_ = 	snop  }
0x3b: {  	_ = 	snop  }
0x3c: {  	p2 =	seq.s32 s10, $0x1;
	s10 =	sld [smem:$0x3FAA]  }
0x3d: {  	_ =	shalt  }
0x3e: {  	_ =	shalt  }
0x3f: {  	_ =	shalt  }
0x40: {  	_ =	shalt  }
0x41: {  	_ =	shalt  }
0x42: {  	_ =	shalt  }
0x43: {  	_ =	shalt  }
0x44: {  	_ =	shalt  }
0x45: {  	_ =	shalt  }
0x46: {  	_ =	shalt  }
0x47: {  	_ =	shalt  }
0x48: {  	_ =	shalt  }
0x49: {  	_ =	shalt  }
0x4a: {  	_ =	shalt  }
0x4b: {  	_ =	shalt  }
0x4c: {  	_ =	shalt  }
0x4d: {  	_ =	shalt  }
0x4e: {  	_ =	shalt  }
0x4f: {  	_ =	shalt  }
0x50: {  	_ =	shalt  }
0x51: {  	_ =	shalt  }
0x52: {  	_ =	shalt  }
0x53: {  	_ =	shalt  }
0x54: {  	_ =	shalt  }
0x55: {  	_ =	shalt  }
0x56: {  	_ =	shalt  }
0x57: {  	_ =	shalt  }
0x58: {  	_ =	shalt  }
0x59: {  	_ =	shalt  }
0x5a: {  	_ =	shalt  }
0x5b: {  	_ =	shalt  }
0x5c: {  	_ =	shalt  }
0x5d: {  	_ =	shalt  }
0x5e: {  	_ =	shalt  }
0x5f: {  	_ =	shalt  }
0x60: {  	_ =	shalt  }
0x61: {  	_ =	shalt  }
0x62: {  	_ =	shalt  }
0x63: {  	_ =	shalt  }
0x64: {  	_ =	shalt  }
0x65: {  	_ =	shalt  }
0x66: {  	_ =	shalt  }
0x67: {  	_ =	shalt  }
0x68: {  	_ =	shalt  }
0x69: {  	_ =	shalt  }
0x6a: {  	_ =	shalt  }
0x6b: {  	_ =	shalt  }
0x6c: {  	_ =	shalt  }
0x6d: {  	_ =	shalt  }
0x6e: {  	_ =	shalt  }
0x6f: {  	_ =	shalt  }
0x70: {  	_ =	shalt  }
0x71: {  	_ =	shalt  }
0x72: {  	_ =	shalt  }
0x73: {  	_ =	shalt  }
0x74: {  	_ =	shalt  }
0x75: {  	_ =	shalt  }
0x76: {  	_ =	shalt  }
0x77: {  	_ =	shalt  }
0x78: {  	_ =	shalt  }
0x79: {  	_ =	shalt  }
0x7a: {  	_ =	shalt  }
0x7b: {  	_ =	shalt  }
0x7c: {  	_ =	shalt  }
0x7d: {  	_ =	shalt  }
0x7e: {  	_ =	shalt  }
0x7f: {  	_ =	shalt  }
0x80: {  	_ =	shalt  }
0x81: {  	_ =	shalt  }
0x82: {  	_ =	shalt  }
0x83: {  	_ =	shalt  }
0x84: {  	_ =	shalt  }
0x85: {  	_ =	shalt  }
0x86: {  	_ =	shalt  }
0x87: {  	_ =	shalt  }
.Lfunc_end0:
.L_simem_size_0:
called_computation.1_lowered:
.L_overlay_start_0:
0x88: {  	s2 =	sld [smem:$0x3FD9]  }
0x89: {  	s3 =	sld [smem:$0x3FFE];
	_ =	sdelay $0x1  }
0x8a: {  	s1 =	srdreg.scid  }
0x8b: {  	s0 =	sand.u32 $0x1, s1  }
0x8c: {  	s17 =	sshll.u32 s0, $0xA;
	s2 =	sadd.s32 s3, s2  }
0x8d: {  	s2 =	sadd.s32 s2, s17  }
0x8e: {  	[smem:$0x3FB6] =	sst s2  }
0x8f: {  	_ = 	snop  }
0x90: {  	(tm) =	ssettm $0x1  }
0x91: {  	s18 =	sld [smem:$0x3FFB];
	_ =	sdelay $0x3  }
0x92: {  	_ =	strace s18  }
0x93: {  	s2 =	sld [smem:$0x3FFC];
	_ =	sdelay $0x3  }
0x94: {  	_ =	strace s2  }
0x95: {  	s2 =	sld [smem:$0x3FFD];
	_ =	sdelay $0x3  }
0x96: {  	_ =	strace s2  }
0x97: {  	_ =	strace $0x8FFFFFFF  }
0x98: {  	s19 =	sld [smem:$0x3FDB];
	_ =	sdelay $0x1  }
0x99: {  	s20 =	simm.s32 $_scs_section_size  }
0x9a: {  	s4 =	simm.s32 $_size__tile_overlayer_lowered;
	s5 =	simm.s32 $_tile_overlayer_lowered  }
0x9b: {  	s6 =	simm.s32 $0x1BFF;
	s21 =	sshll.u32 s5, $0x1;
	s3 =	sadd.s32 s20, s19  }
0x9c: {  	s22 =	simm.s32 $0x0;
	s4 =	sshll.u32 s4, $0x1;
	s5 =	sadd.s32 s21, s3  }
0x9d: {  	[timem:s22], [sflag:s6] =	dma.local [hbm:s5], s4  }
0x9e: {  	_ =	swait.ge [sflag:s6], s4  }
0x9f: {  	s4 =	ssub.s32 $0x0, s4;
	[sflag:s6] =	ssyncset.done $0x0  }
0xa0: {  	[sflag:s6] =	ssyncadd.s32 s4;
	_ =	sdelay $0x1  }
0xa1: {  	s23 =	simm.s32 $0x1B8B  }
0xa2: {  	_ =	swait.ge [sflag:s23], $0x1  }
0xa3: {  	[sflag:s23] =	ssyncset.done $0x0  }
0xa4: {  	[sflag:s23] =	ssyncadd.s32 $0xFFFFFFFF  }
0xa5: {  	s4 =	sld [smem:$0x0]  }
0xa6: {  	s5 =	sand.u32 $0xFFFFFFFE, s1  }
0xa7: {  	p0 =	sne.s32 s1, s5  }
0xa8: {  	s5 =	sshll.u32 @p0 s5, $0xE  }
0xa9: {  	s5 =	sadd.s32 @p0 $0x11B8D, s5;
	s6 =	sshll.u32 @p0 s4, $0x11  }
0xaa: {  	s5 =	sor.u32 @p0 s6, s5  }
0xab: {  	[sflag:s5] =	ssyncadd.remote.s32 @p0 $0x1;
	_ =	sdelay $0x1  }
0xac: {  	s5 =	simm.s32 @p0 $0x1B8D  }
0xad: {  	_ =	swait.eq @p0 [sflag:s5], $0x1  }
0xae: {  	[sflag:s5] =	ssyncadd.s32 @p0 $0xFFFFFFFF  }
0xaf: {  	s6 =	sshll.u32 @!p0 s1, $0xE  }
0xb0: {  	s6 =	sor.u32 @!p0 $0x4000, s6;
	s5 =	simm.s32 @!p0 $0x1B8D  }
0xb1: {  	s4 =	sshll.u32 @!p0 s4, $0x11;
	s6 =	sadd.s32 @!p0 $0x11B8D, s6;
	_ =	swait.eq @!p0 [sflag:s5], $0x1  }
0xb2: {  	s4 =	sor.u32 @!p0 s4, s6;
	[sflag:s5] =	ssyncadd.s32 @!p0 $0xFFFFFFFF  }
0xb3: {  	s25 =	simm.s32 $0x1B8E;
	s24 =	sld [smem:$0x3FFE];
	[sflag:s4] =	ssyncadd.remote.s32 @!p0 $0x1  }
0xb4: {  	s26 =	simm.s32 $execute0_lowered;
	[smem:$0x3FD2] =	sst s25  }
0xb5: {  	s5 =	sshll.u32 s26, $0x1;
	_ =	strace $0x80000049;
	[dreg:$0x1] =	wrdreg $0xFFFFFFFF  }
0xb6: {  	s28 =	simm.s32 $_size_execute0_lowered;
	s3 =	sadd.s32 s3, s5;
	[dreg:$0x0] =	wrdreg $0x0  }
0xb7: {  	s5 =	sshll.u32 s28, $0x1;
	[dreg:$0x2] =	wrdreg s3  }
0xb8: {  	[dreg:$0x3] =	wrdreg s5  }
0xb9: {  	[dreg:$0x4] =	wrdreg $0xC0  }
0xba: {  	_ =	task [dreg:s22], $0x5FFFF  }
0xbb: {  	[dreg:$0x1] =	wrdreg $0xFFFFFFFF  }
0xbc: {  	[dreg:$0x0] =	wrdreg $0x60  }
0xbd: {  	[dreg:$0x2] =	wrdreg s24  }
0xbe: {  	[dreg:$0x3] =	wrdreg $0xA  }
0xbf: {  	_ =	task.clear_ibuf [dreg:s22], $0x4FFFF;
	_ =	strace $0x90000049  }
0xc0: {  	s29 =	simm.s32 $0xA;
	_ =	strace $0x8000004B  }
0xc1: {  	_ =	swait.ge [sflag:s29], $0x1  }
0xc2: {  	[sflag:s29] =	ssyncadd.s32 $0xFFFFFFFF  }
0xc3: {  	_ =	strace $0x9000004B  }
0xc4: {  	_ =	sfence  }
0xc5: {  	s30 =	sld [smem:$0x0];
	_ =	sdelay $0x2  }
0xc6: {  	s31 =	sshll.u32 s1, $0xD;
	s1 =	sshrl.u32 s1, $0x2  }
0xc7: {  	s4 =	sand.u32 $0x4000, s31;
	s1 =	sadd.s32 s1, s30  }
0xc8: {  	s0 =	sor.u32 s4, s0;
	s1 =	sshll.u32 s1, $0x11  }
0xc9: {  	s0 =	sor.u32 s1, s0  }
0xca: {  	s0 =	sadd.s32 $0x8F2B, s0  }
0xcb: {  	[sflag:s0] =	ssyncadd.remote.s32 $0x1  }
0xcc: {  	_ =	sfence.sel $0xFFFF  }
0xcd: {  	[dreg:$0x0] =	wrdreg $0xFFFFFFFF;
	(pc) =	sbr.abs _section_cstart, $3  }
0xce: {  	[dreg:$0x1] =	wrdreg $0xFFFFFFFF  }
0xcf: {  	_ =	task.clear_ibuf [dreg:s22], $0x2FFFF;
	_ =	strace $0x9FFFFFFF  }
0xd0: {  	(tm) =	ssettm $0x7FFFFFFF  }
0xd1: {  	_ =	shalt  }
tec
execute0_lowered:
.L_overlay_start_1:
0x0: {  	(tag) =	ssettag $0x1  }
0x1: {  	s0 =	srdreg.scid  }
0x2: {  	s1 =	stileid.u32;
	s2 =	rddreg [dreg:$0x0]  }
0x3: {  	s8 =	simm.s32 $0x0;
	s12 =	simm.s32 $0x2A0;
	s11 =	simm.s32 $0x70  }
0x4: {  	s26 =	simm.s32 $0x2140;
	s13 =	simm.s32 $0xE0;
	s14 =	simm.s32 $0x3D40  }
0x5: {  	s15 =	simm.s32 $0x150;
	s16 =	simm.s32 $0x5940;
	s17 =	simm.s32 $0x1C0  }
0x6: {  	s18 =	simm.s32 $0x7540;
	s19 =	simm.s32 $0x230;
	s20 =	simm.s32 $0x9140  }
0x7: {  	s21 =	simm.s32 $0x310;
	s22 =	simm.s32 $0xC940;
	s23 =	simm.s32 $0x380  }
0x8: {  	s28 =	simm.s32 $0x460;
	p0 =	por $0x0, $0x0;
	s29 =	simm.s32 $0x11D40  }
0x9: {  	s30 =	simm.s32 $0x4D0;
	s31 =	simm.s32 $0x13940;
	s9 =	simm.s32 $0x1  }
0xa: {  	s5 =	simm.s32 $0x40;
	s6 =	simm.s32 $0x80;
	s0 =	sand.u32 $0x1, s0  }
0xb: {  	s1 =	sshll.u32 s1, $0x1;
	[smem:$0x7FF] =	sst s8;
	s7 =	sadd.s32 $0x24F000, s2  }
0xc: {  	s10 =	sadd.s32 $0x18BA00, s2;
	s1 =	sor.u32 s0, s1;
	s0 =	ssub.s32 $0x2, s0  }
0xd: {  	_ =	strace $0x8000004A;
	s3 =	smul.u32 $0x54, s1;
	s25 =	sshrl.u32 s0, $0x1  }
0xe: {  	[dreg:$0x6] =	wrdreg s26;
	s1 =	smul.u32 $0x2A00, s1;
	s0 =	ssub.s32 s0, s25  }
0xf: {  	s26 =	simm.s32 $0x10140;
	s3 =	sadd.s32 s3, s2;
	s0 =	smax.u32 s0, $0x1  }
0x10: {  	s1 =	sadd.s32 s1, s2;
	s4 =	sadd.s32 $0xA7000, s3;
	p1 =	sne.s32 s0, $0x1  }
.Ltmp0:
0x11: {  	s3 =	sadd.s32 $0xA6400, s3;
	[dreg:$0x2] =	wrdreg s4;
	(pc) =	sbr.rel @!p1 .LBB2_3-.Ltmp0, $4  }
0x12: {  	s25 =	simm.s32 $0x3F0;
	s24 =	sadd.s32 $0xA7C00, s1;
	[dreg:$0x3] =	wrdreg s3  }
0x13: {  	s2 =	simm.s32 $0x2;
	s1 =	sadd.s32 $0xFFC00, s1;
	[dreg:$0x4] =	wrdreg s24  }
0x14: {  	[dreg:$0x5] =	wrdreg s1;
	s3 =	simm.s32 $0x540;
	s4 =	simm.s32 $0xAD40  }
0x15: {  	s24 =	simm.s32 $0xE540;
	s1 =	sadd.s32 $0xFFFFFFFF, s0;
	s0 =	rddreg [dreg:$0x2]  }
0x16: {  	[tilespmem:s8], [sflag:$0x2] =	stream.linear.gather [hbm4b:s0+s8], $0x2A0, $0x38;
	[tilespmem:$0x15540] =	vst v63  }
0x17: {  	_ =	swait.ge [sflag:s2], $0x2A0  }
0x18: {  	[sflag:s2] =	ssyncset.done $0x0  }
0x19: {  	s0 =	rddreg [dreg:$0x3];
	[sflag:s2] =	ssyncadd.s32 $0xFFFFFD60  }
0x1a: {  	[tilespmem:s12], [sflag:$0x2] =	stream.linear.gather [hbm4b:s0+s8], $0x2A0, $0x38;
	[tilespmem:$0x15540] =	vst v63  }
0x1b: {  	_ =	swait.ge [sflag:s2], $0x2A0  }
0x1c: {  	[sflag:s2] =	ssyncset.done $0x0  }
0x1d: {  	[sflag:s2] =	ssyncadd.s32 $0xFFFFFD60  }
0x1e: {  	[tilespmem:s3], [sflag:$0x1] =	stream.indirect.gather [hbm4b:s7+s11], $0x40, s8, s11, $0xb8;
	[tilespmem:$0x15540] =	vst v63  }
0x1f: {  	s0 =	rddreg [dreg:$0x6]  }
0x20: {  	[tilespmem:s0], [sflag:$0x1] =	stream.indirect.gather [hbm4b:s7+s11], $0x40, s11, s11, $0xb8;
	[tilespmem:$0x15540] =	vst v63  }
0x21: {  	_ = 	snop  }
0x22: {  	[tilespmem:s14], [sflag:$0x1] =	stream.indirect.gather [hbm4b:s7+s11], $0x40, s13, s11, $0xb8;
	[tilespmem:$0x15540] =	vst v63  }
0x23: {  	_ = 	snop  }
0x24: {  	[tilespmem:s16], [sflag:$0x1] =	stream.indirect.gather [hbm4b:s7+s11], $0x40, s15, s11, $0xb8;
	[tilespmem:$0x15540] =	vst v63  }
0x25: {  	_ = 	snop  }
0x26: {  	[tilespmem:s18], [sflag:$0x1] =	stream.indirect.gather [hbm4b:s7+s11], $0x40, s17, s11, $0xb8;
	[tilespmem:$0x15540] =	vst v63  }
0x27: {  	_ = 	snop  }
0x28: {  	[tilespmem:s20], [sflag:$0x1] =	stream.indirect.gather [hbm4b:s7+s11], $0x40, s19, s11, $0xb8;
	[tilespmem:$0x15540] =	vst v63  }
0x29: {  	_ = 	snop  }
0x2a: {  	[tilespmem:s4], [sflag:$0x1] =	stream.indirect.gather [hbm4b:s10+s11], $0x40, s12, s11, $0xb8;
	[tilespmem:$0x15540] =	vst v63  }
0x2b: {  	_ = 	snop  }
0x2c: {  	[tilespmem:s22], [sflag:$0x1] =	stream.indirect.gather [hbm4b:s10+s11], $0x40, s21, s11, $0xb8;
	[tilespmem:$0x15540] =	vst v63  }
0x2d: {  	_ = 	snop  }
0x2e: {  	[tilespmem:s24], [sflag:$0x1] =	stream.indirect.gather [hbm4b:s10+s11], $0x40, s23, s11, $0xb8;
	[tilespmem:$0x15540] =	vst v63  }
0x2f: {  	_ = 	snop  }
0x30: {  	[tilespmem:s26], [sflag:$0x1] =	stream.indirect.gather [hbm4b:s10+s11], $0x40, s25, s11, $0xb8;
	[tilespmem:$0x15540] =	vst v63  }
0x31: {  	_ = 	snop  }
0x32: {  	[tilespmem:s29], [sflag:$0x1] =	stream.indirect.gather [hbm4b:s10+s11], $0x40, s28, s11, $0xb8;
	[tilespmem:$0x15540] =	vst v63  }
0x33: {  	_ = 	snop  }
0x34: {  	[tilespmem:s31], [sflag:$0x1] =	stream.indirect.gather [hbm4b:s10+s11], $0x40, s30, s11, $0xb8;
	[tilespmem:$0x15540] =	vst v63  }
0x35: {  	_ =	swait.ge [sflag:s9], $0x1C00  }
0x36: {  	[sflag:s9] =	ssyncset.done $0x0  }
0x37: {  	[sflag:s9] =	ssyncadd.s32 $0xFFFFE400  }
0x38: {  	_ =	swait.ge [sflag:s9], $0x1C00  }
0x39: {  	[sflag:s9] =	ssyncset.done $0x0  }
0x3a: {  	[sflag:s9] =	ssyncadd.s32 $0xFFFFE400  }
0x3b: {  	_ =	swait.ge [sflag:s9], $0x1C00  }
0x3c: {  	[sflag:s9] =	ssyncset.done $0x0  }
0x3d: {  	[sflag:s9] =	ssyncadd.s32 $0xFFFFE400  }
0x3e: {  	_ =	swait.ge [sflag:s9], $0x1C00  }
0x3f: {  	[sflag:s9] =	ssyncset.done $0x0  }
0x40: {  	[sflag:s9] =	ssyncadd.s32 $0xFFFFE400  }
0x41: {  	_ =	swait.ge [sflag:s9], $0x1C00  }
0x42: {  	[sflag:s9] =	ssyncset.done $0x0  }
0x43: {  	[sflag:s9] =	ssyncadd.s32 $0xFFFFE400  }
0x44: {  	_ =	swait.ge [sflag:s9], $0x1C00  }
0x45: {  	[sflag:s9] =	ssyncset.done $0x0  }
0x46: {  	[sflag:s9] =	ssyncadd.s32 $0xFFFFE400  }
0x47: {  	_ =	swait.ge [sflag:s9], $0x1C00  }
0x48: {  	[sflag:s9] =	ssyncset.done $0x0  }
0x49: {  	[sflag:s9] =	ssyncadd.s32 $0xFFFFE400  }
0x4a: {  	_ =	swait.ge [sflag:s9], $0x1C00  }
0x4b: {  	[sflag:s9] =	ssyncset.done $0x0  }
0x4c: {  	[sflag:s9] =	ssyncadd.s32 $0xFFFFE400  }
0x4d: {  	_ =	swait.ge [sflag:s9], $0x1C00  }
0x4e: {  	[sflag:s9] =	ssyncset.done $0x0  }
0x4f: {  	[sflag:s9] =	ssyncadd.s32 $0xFFFFE400  }
0x50: {  	_ =	swait.ge [sflag:s9], $0x1C00  }
0x51: {  	[sflag:s9] =	ssyncset.done $0x0  }
0x52: {  	[sflag:s9] =	ssyncadd.s32 $0xFFFFE400  }
0x53: {  	_ =	swait.ge [sflag:s9], $0x1C00  }
0x54: {  	[sflag:s9] =	ssyncset.done $0x0  }
0x55: {  	[sflag:s9] =	ssyncadd.s32 $0xFFFFE400  }
0x56: {  	_ =	swait.ge [sflag:s9], $0x1C00  }
0x57: {  	[sflag:s9] =	ssyncset.done $0x0  }
0x58: {  	s0 =	rddreg [dreg:$0x4];
	[sflag:s9] =	ssyncadd.s32 $0xFFFFE400  }
0x59: {  	[hbm4b:s0+s5] =	stream.strided.scatter [tilespmem:s3], [sflag:$0x2], $0xA800, s6, s5, $0x38;
	[tilespmem:$0x15540] =	vst v63  }
0x5a: {  	p1 =	sne.s32 s1, $0x1;
	_ =	swait.ge [sflag:s2], $0xA800  }
.Ltmp1:
0x5b: {  	[sflag:s2] =	ssyncset.done $0x0;
	(pc) =	sbr.rel @!p1 .LBB2_3-.Ltmp1, $4  }
0x5c: {  	s0 =	rddreg [dreg:$0x5];
	[sflag:s2] =	ssyncadd.s32 $0xFFFF5800  }
0x5d: {  	[hbm4b:s0+s5] =	stream.strided.scatter [tilespmem:s4], [sflag:$0x2], $0xA800, s6, s5, $0x38;
	[tilespmem:$0x15540] =	vst v63  }
0x5e: {  	s1 =	sadd.s32 $0xFFFFFFFF, s1;
	_ =	swait.ge [sflag:s2], $0xA800  }
0x5f: {  	p0 =	por $0x1, $0x1;
	s0 =	rddreg [dreg:$0x2];
	[sflag:s2] =	ssyncset.done $0x0  }
.LBB2_2:
0x60: {  	[sflag:s2] =	ssyncadd.s32 $0xFFFF5800  }
0x61: {  	[tilespmem:s8], [sflag:$0x2] =	stream.linear.gather [hbm4b:s0+s8], $0x2A0, $0x38;
	[tilespmem:$0x15540] =	vst v63  }
0x62: {  	_ =	swait.ge [sflag:s2], $0x2A0  }
0x63: {  	[sflag:s2] =	ssyncset.done $0x0  }
0x64: {  	s0 =	rddreg [dreg:$0x3];
	[sflag:s2] =	ssyncadd.s32 $0xFFFFFD60  }
0x65: {  	[tilespmem:s12], [sflag:$0x2] =	stream.linear.gather [hbm4b:s0+s8], $0x2A0, $0x38;
	[tilespmem:$0x15540] =	vst v63  }
0x66: {  	_ =	swait.ge [sflag:s2], $0x2A0  }
0x67: {  	[sflag:s2] =	ssyncset.done $0x0  }
0x68: {  	[sflag:s2] =	ssyncadd.s32 $0xFFFFFD60  }
0x69: {  	[tilespmem:s3], [sflag:$0x1] =	stream.indirect.gather [hbm4b:s7+s11], $0x40, s8, s11, $0xb8;
	[tilespmem:$0x15540] =	vst v63  }
0x6a: {  	s0 =	rddreg [dreg:$0x6]  }
0x6b: {  	[tilespmem:s0], [sflag:$0x1] =	stream.indirect.gather [hbm4b:s7+s11], $0x40, s11, s11, $0xb8;
	[tilespmem:$0x15540] =	vst v63  }
0x6c: {  	_ = 	snop  }
0x6d: {  	[tilespmem:s14], [sflag:$0x1] =	stream.indirect.gather [hbm4b:s7+s11], $0x40, s13, s11, $0xb8;
	[tilespmem:$0x15540] =	vst v63  }
0x6e: {  	_ = 	snop  }
0x6f: {  	[tilespmem:s16], [sflag:$0x1] =	stream.indirect.gather [hbm4b:s7+s11], $0x40, s15, s11, $0xb8;
	[tilespmem:$0x15540] =	vst v63  }
0x70: {  	_ = 	snop  }
0x71: {  	[tilespmem:s18], [sflag:$0x1] =	stream.indirect.gather [hbm4b:s7+s11], $0x40, s17, s11, $0xb8;
	[tilespmem:$0x15540] =	vst v63  }
0x72: {  	_ = 	snop  }
0x73: {  	[tilespmem:s20], [sflag:$0x1] =	stream.indirect.gather [hbm4b:s7+s11], $0x40, s19, s11, $0xb8;
	[tilespmem:$0x15540] =	vst v63  }
0x74: {  	_ = 	snop  }
0x75: {  	[tilespmem:s4], [sflag:$0x1] =	stream.indirect.gather [hbm4b:s10+s11], $0x40, s12, s11, $0xb8;
	[tilespmem:$0x15540] =	vst v63  }
0x76: {  	_ = 	snop  }
0x77: {  	[tilespmem:s22], [sflag:$0x1] =	stream.indirect.gather [hbm4b:s10+s11], $0x40, s21, s11, $0xb8;
	[tilespmem:$0x15540] =	vst v63  }
0x78: {  	_ = 	snop  }
0x79: {  	[tilespmem:s24], [sflag:$0x1] =	stream.indirect.gather [hbm4b:s10+s11], $0x40, s23, s11, $0xb8;
	[tilespmem:$0x15540] =	vst v63  }
0x7a: {  	_ = 	snop  }
0x7b: {  	[tilespmem:s26], [sflag:$0x1] =	stream.indirect.gather [hbm4b:s10+s11], $0x40, s25, s11, $0xb8;
	[tilespmem:$0x15540] =	vst v63  }
0x7c: {  	_ = 	snop  }
0x7d: {  	[tilespmem:s29], [sflag:$0x1] =	stream.indirect.gather [hbm4b:s10+s11], $0x40, s28, s11, $0xb8;
	[tilespmem:$0x15540] =	vst v63  }
0x7e: {  	_ = 	snop  }
0x7f: {  	[tilespmem:s31], [sflag:$0x1] =	stream.indirect.gather [hbm4b:s10+s11], $0x40, s30, s11, $0xb8;
	[tilespmem:$0x15540] =	vst v63  }
0x80: {  	_ =	swait.ge [sflag:s9], $0x1C00  }
0x81: {  	[sflag:s9] =	ssyncset.done $0x0  }
0x82: {  	[sflag:s9] =	ssyncadd.s32 $0xFFFFE400  }
0x83: {  	_ =	swait.ge [sflag:s9], $0x1C00  }
0x84: {  	[sflag:s9] =	ssyncset.done $0x0  }
0x85: {  	[sflag:s9] =	ssyncadd.s32 $0xFFFFE400  }
0x86: {  	_ =	swait.ge [sflag:s9], $0x1C00  }
0x87: {  	[sflag:s9] =	ssyncset.done $0x0  }
0x88: {  	[sflag:s9] =	ssyncadd.s32 $0xFFFFE400  }
0x89: {  	_ =	swait.ge [sflag:s9], $0x1C00  }
0x8a: {  	[sflag:s9] =	ssyncset.done $0x0  }
0x8b: {  	[sflag:s9] =	ssyncadd.s32 $0xFFFFE400  }
0x8c: {  	_ =	swait.ge [sflag:s9], $0x1C00  }
0x8d: {  	[sflag:s9] =	ssyncset.done $0x0  }
0x8e: {  	[sflag:s9] =	ssyncadd.s32 $0xFFFFE400  }
0x8f: {  	_ =	swait.ge [sflag:s9], $0x1C00  }
0x90: {  	[sflag:s9] =	ssyncset.done $0x0  }
0x91: {  	[sflag:s9] =	ssyncadd.s32 $0xFFFFE400  }
0x92: {  	_ =	swait.ge [sflag:s9], $0x1C00  }
0x93: {  	[sflag:s9] =	ssyncset.done $0x0  }
0x94: {  	[sflag:s9] =	ssyncadd.s32 $0xFFFFE400  }
0x95: {  	_ =	swait.ge [sflag:s9], $0x1C00  }
0x96: {  	[sflag:s9] =	ssyncset.done $0x0  }
0x97: {  	[sflag:s9] =	ssyncadd.s32 $0xFFFFE400  }
0x98: {  	_ =	swait.ge [sflag:s9], $0x1C00  }
0x99: {  	[sflag:s9] =	ssyncset.done $0x0  }
0x9a: {  	[sflag:s9] =	ssyncadd.s32 $0xFFFFE400  }
0x9b: {  	_ =	swait.ge [sflag:s9], $0x1C00  }
0x9c: {  	[sflag:s9] =	ssyncset.done $0x0  }
0x9d: {  	[sflag:s9] =	ssyncadd.s32 $0xFFFFE400  }
0x9e: {  	_ =	swait.ge [sflag:s9], $0x1C00  }
0x9f: {  	[sflag:s9] =	ssyncset.done $0x0  }
0xa0: {  	[sflag:s9] =	ssyncadd.s32 $0xFFFFE400  }
0xa1: {  	_ =	swait.ge [sflag:s9], $0x1C00  }
0xa2: {  	[sflag:s9] =	ssyncset.done $0x0  }
0xa3: {  	s0 =	rddreg [dreg:$0x4];
	[sflag:s9] =	ssyncadd.s32 $0xFFFFE400  }
0xa4: {  	[hbm4b:s0+s5] =	stream.strided.scatter [tilespmem:s3], [sflag:$0x2], $0xA800, s6, s5, $0x38;
	[tilespmem:$0x15540] =	vst v63  }
0xa5: {  	p1 =	sne.s32 s1, $0x1;
	_ =	swait.ge [sflag:s2], $0xA800  }
.Ltmp2:
0xa6: {  	[sflag:s2] =	ssyncset.done $0x0;
	(pc) =	sbr.rel @p1 .LBB2_2-.Ltmp2, $4  }
0xa7: {  	s0 =	rddreg [dreg:$0x5];
	[sflag:s2] =	ssyncadd.s32 $0xFFFF5800  }
0xa8: {  	[hbm4b:s0+s5] =	stream.strided.scatter [tilespmem:s4], [sflag:$0x2], $0xA800, s6, s5, $0x38;
	[tilespmem:$0x15540] =	vst v63  }
0xa9: {  	_ =	swait.ge [sflag:s2], $0xA800  }
0xaa: {  	s1 =	sadd.s32 $0xFFFFFFFF, s1;
	s0 =	rddreg [dreg:$0x2];
	[sflag:s2] =	ssyncset.done $0x0  }
.LBB2_3:
0xab: {  	[sflag:s2] =	ssyncadd.s32 @p0 $0xFFFF5800  }
0xac: {  	[tilespmem:s8], [sflag:$0x2] =	stream.linear.gather [hbm4b:s0+s8], $0x2A0, $0x38;
	[tilespmem:$0x15540] =	vst v63  }
0xad: {  	_ =	swait.ge [sflag:s2], $0x2A0  }
0xae: {  	[sflag:s2] =	ssyncset.done $0x0  }
0xaf: {  	s1 =	rddreg [dreg:$0x3];
	[sflag:s2] =	ssyncadd.s32 $0xFFFFFD60  }
0xb0: {  	[tilespmem:s12], [sflag:$0x2] =	stream.linear.gather [hbm4b:s1+s8], $0x2A0, $0x38;
	[tilespmem:$0x15540] =	vst v63  }
0xb1: {  	_ =	swait.ge [sflag:s2], $0x2A0  }
0xb2: {  	[sflag:s2] =	ssyncset.done $0x0  }
0xb3: {  	[sflag:s2] =	ssyncadd.s32 $0xFFFFFD60  }
0xb4: {  	[tilespmem:s3], [sflag:$0x1] =	stream.indirect.gather [hbm4b:s7+s11], $0x40, s8, s11, $0xb8;
	[tilespmem:$0x15540] =	vst v63  }
0xb5: {  	s1 =	rddreg [dreg:$0x6]  }
0xb6: {  	[tilespmem:s1], [sflag:$0x1] =	stream.indirect.gather [hbm4b:s7+s11], $0x40, s11, s11, $0xb8;
	[tilespmem:$0x15540] =	vst v63  }
0xb7: {  	_ = 	snop  }
0xb8: {  	[tilespmem:s14], [sflag:$0x1] =	stream.indirect.gather [hbm4b:s7+s11], $0x40, s13, s11, $0xb8;
	[tilespmem:$0x15540] =	vst v63  }
0xb9: {  	_ = 	snop  }
0xba: {  	[tilespmem:s16], [sflag:$0x1] =	stream.indirect.gather [hbm4b:s7+s11], $0x40, s15, s11, $0xb8;
	[tilespmem:$0x15540] =	vst v63  }
0xbb: {  	_ = 	snop  }
0xbc: {  	[tilespmem:s18], [sflag:$0x1] =	stream.indirect.gather [hbm4b:s7+s11], $0x40, s17, s11, $0xb8;
	[tilespmem:$0x15540] =	vst v63  }
0xbd: {  	_ = 	snop  }
0xbe: {  	[tilespmem:s20], [sflag:$0x1] =	stream.indirect.gather [hbm4b:s7+s11], $0x40, s19, s11, $0xb8;
	[tilespmem:$0x15540] =	vst v63  }
0xbf: {  	_ = 	snop  }
0xc0: {  	[tilespmem:s4], [sflag:$0x1] =	stream.indirect.gather [hbm4b:s10+s11], $0x40, s12, s11, $0xb8;
	[tilespmem:$0x15540] =	vst v63  }
0xc1: {  	_ = 	snop  }
0xc2: {  	[tilespmem:s22], [sflag:$0x1] =	stream.indirect.gather [hbm4b:s10+s11], $0x40, s21, s11, $0xb8;
	[tilespmem:$0x15540] =	vst v63  }
0xc3: {  	_ = 	snop  }
0xc4: {  	[tilespmem:s24], [sflag:$0x1] =	stream.indirect.gather [hbm4b:s10+s11], $0x40, s23, s11, $0xb8;
	[tilespmem:$0x15540] =	vst v63  }
0xc5: {  	_ = 	snop  }
0xc6: {  	[tilespmem:s26], [sflag:$0x1] =	stream.indirect.gather [hbm4b:s10+s11], $0x40, s25, s11, $0xb8;
	[tilespmem:$0x15540] =	vst v63  }
0xc7: {  	_ = 	snop  }
0xc8: {  	[tilespmem:s29], [sflag:$0x1] =	stream.indirect.gather [hbm4b:s10+s11], $0x40, s28, s11, $0xb8;
	[tilespmem:$0x15540] =	vst v63  }
0xc9: {  	_ = 	snop  }
0xca: {  	[tilespmem:s31], [sflag:$0x1] =	stream.indirect.gather [hbm4b:s10+s11], $0x40, s30, s11, $0xb8;
	[tilespmem:$0x15540] =	vst v63  }
0xcb: {  	_ =	swait.ge [sflag:s9], $0x1C00  }
0xcc: {  	[sflag:s9] =	ssyncset.done $0x0  }
0xcd: {  	[sflag:s9] =	ssyncadd.s32 $0xFFFFE400  }
0xce: {  	_ =	swait.ge [sflag:s9], $0x1C00  }
0xcf: {  	[sflag:s9] =	ssyncset.done $0x0  }
0xd0: {  	[sflag:s9] =	ssyncadd.s32 $0xFFFFE400  }
0xd1: {  	_ =	swait.ge [sflag:s9], $0x1C00  }
0xd2: {  	[sflag:s9] =	ssyncset.done $0x0  }
0xd3: {  	[sflag:s9] =	ssyncadd.s32 $0xFFFFE400  }
0xd4: {  	_ =	swait.ge [sflag:s9], $0x1C00  }
0xd5: {  	[sflag:s9] =	ssyncset.done $0x0  }
0xd6: {  	[sflag:s9] =	ssyncadd.s32 $0xFFFFE400  }
0xd7: {  	_ =	swait.ge [sflag:s9], $0x1C00  }
0xd8: {  	[sflag:s9] =	ssyncset.done $0x0  }
0xd9: {  	[sflag:s9] =	ssyncadd.s32 $0xFFFFE400  }
0xda: {  	_ =	swait.ge [sflag:s9], $0x1C00  }
0xdb: {  	[sflag:s9] =	ssyncset.done $0x0  }
0xdc: {  	[sflag:s9] =	ssyncadd.s32 $0xFFFFE400  }
0xdd: {  	_ =	swait.ge [sflag:s9], $0x1C00  }
0xde: {  	[sflag:s9] =	ssyncset.done $0x0  }
0xdf: {  	[sflag:s9] =	ssyncadd.s32 $0xFFFFE400  }
0xe0: {  	_ =	swait.ge [sflag:s9], $0x1C00  }
0xe1: {  	[sflag:s9] =	ssyncset.done $0x0  }
0xe2: {  	[sflag:s9] =	ssyncadd.s32 $0xFFFFE400  }
0xe3: {  	_ =	swait.ge [sflag:s9], $0x1C00  }
0xe4: {  	[sflag:s9] =	ssyncset.done $0x0  }
0xe5: {  	[sflag:s9] =	ssyncadd.s32 $0xFFFFE400  }
0xe6: {  	_ =	swait.ge [sflag:s9], $0x1C00  }
0xe7: {  	[sflag:s9] =	ssyncset.done $0x0  }
0xe8: {  	[sflag:s9] =	ssyncadd.s32 $0xFFFFE400  }
0xe9: {  	_ =	swait.ge [sflag:s9], $0x1C00  }
0xea: {  	[sflag:s9] =	ssyncset.done $0x0  }
0xeb: {  	[sflag:s9] =	ssyncadd.s32 $0xFFFFE400  }
0xec: {  	_ =	swait.ge [sflag:s9], $0x1C00  }
0xed: {  	[sflag:s9] =	ssyncset.done $0x0  }
0xee: {  	s29 =	rddreg [dreg:$0x4];
	[sflag:s9] =	ssyncadd.s32 $0xFFFFE400  }
0xef: {  	[hbm4b:s29+s5] =	stream.strided.scatter [tilespmem:s3], [sflag:$0x2], $0xA800, s6, s5, $0x38;
	[tilespmem:$0x15540] =	vst v63  }
0xf0: {  	_ =	swait.ge [sflag:s2], $0xA800  }
0xf1: {  	[sflag:s2] =	ssyncset.done $0x0  }
0xf2: {  	s30 =	rddreg [dreg:$0x5];
	[sflag:s2] =	ssyncadd.s32 $0xFFFF5800  }
0xf3: {  	[hbm4b:s30+s5] =	stream.strided.scatter [tilespmem:s4], [sflag:$0x2], $0xA800, s6, s5, $0x38;
	[tilespmem:$0x15540] =	vst v63  }
0xf4: {  	_ =	swait.ge [sflag:s2], $0xA800  }
0xf5: {  	[sflag:s2] =	ssyncset.done $0x0  }
0xf6: {  	[sflag:s2] =	ssyncadd.s32 $0xFFFF5800  }
0xf7: {  	_ =	sfence.sel $0x180000  }
0xf8: {  	[bflag:$0x0] =	sbarrier.arrive $0xFFFF  }
0xf9: {  	_ =	strace $0x9000004A  }
0xfa: {  	s31 =	stileid.u32;
	[bflag:$0x2] =	sbarrier.arrive $0xFFFF  }
0xfb: {  	p0 =	sne.s32 s31, $0x0;
	s0 =	rddreg [dreg:$0x1]  }
0xfc: {  	s0 =	sadd.s32 @!p0 $0x100000, s0  }
0xfd: {  	[sflag:s0] =	ssyncadd.tile.s32 @!p0 $0x1;
	_ =	shalt  }
.Lfunc_end2:
_tile_overlayer_lowered:
.L_overlay_start_2:
0xfe: {  	(tag) =	ssettag $0x2  }
0xff: {  	s0 =	rddreg [dreg:$0x0];
	s2 =	stileid.u32  }
0x100: {  	s1 =	rddreg [dreg:$0x1];
	p0 =	sne.s32 s2, $0x0  }
0x101: {  	s3 =	rddreg [dreg:$0x2];
	[bflag:$0x3] =	sbarrier.arrive $0xFFFF;
	s2 =	simm.s32 @!p0 $0x1C02  }
0x102: {  	[timem:s3], [sflag:s2] =	dma.local @!p0 [hbm:s0], s1  }
0x103: {  	s0 =	simm.s32 @!p0 $0x2  }
0x104: {  	_ =	swait.ge @!p0 [sflag:s0], s1  }
0x105: {  	s1 =	ssub.s32 @!p0 $0x0, s1;
	[sflag:s0] =	ssyncset.done @!p0 $0x0  }
0x106: {  	[sflag:s0] =	ssyncadd.s32 @!p0 s1  }
0x107: {  	[bflag:$0x3] =	sbarrier.arrive $0xFFFF  }
0x108: {  	_ =	shalt  }

</sc_bundles>
